<compile_context>
chip_gen: v7x
topology: tpu7x:2x2x1
jax: 0.10.2.dev20260603
libtpu: 0.0.44.dev20260713+nightly
codegen_flags: <defaults>
</compile_context>

<pallas_src>
import functools

import jax
import jax.numpy as jnp
from jax import lax
from jax.experimental import pallas as pl
from jax.experimental.pallas import tpu as pltpu
from jax.experimental.pallas import tpu_sc as plsc

B = 4096
L = 200
D = 64
N_TOTAL = B * L
NC, NS = 2, 16
NW = NC * NS
PER_W = N_TOTAL // NW
G = 128
SET = 5
N_SUPER = PER_W // (G * SET)

_mesh = plsc.VectorSubcoreMesh(core_axis_name="c", subcore_axis_name="s")


@functools.partial(
    pl.kernel,
    out_type=jax.ShapeDtypeStruct((N_TOTAL, D), jnp.float32),
    mesh=_mesh,
    scratch_types=[
        pltpu.VMEM((2, SET, 2, G), jnp.int32),
        pltpu.VMEM((2, SET, G, D), jnp.float32),
        pltpu.VMEM_SHARED((3, D), jnp.float32),
        pltpu.SemaphoreType.DMA,
        pltpu.SemaphoreType.DMA,
        pltpu.SemaphoreType.DMA,
        pltpu.SemaphoreType.DMA,
        pltpu.SemaphoreType.DMA,
        pltpu.SemaphoreType.DMA,
    ],
    compiler_params=pltpu.CompilerParams(use_tc_tiling_on_sc=False),
)
def _embed(pairs_hbm, tok_hbm, rt_hbm, out_hbm, idx_v, rows_v, rt_sh,
           sem_i0, sem_i1, sem_role, sem_tok, sem_w0, sem_w1):
    wid = lax.axis_index("s") * NC + lax.axis_index("c")
    base_w = wid * PER_W
    grp_w = base_w // G
    pltpu.sync_copy(rt_hbm, rt_sh)

    sem_i = (sem_i0, sem_i1)
    sem_w = (sem_w0, sem_w1)

    def idx_copy(s, p):
        pltpu.async_copy(
            pairs_hbm.at[pl.ds(grp_w + s * SET, SET)], idx_v.at[p], sem_i[p])

    def idx_wait(p):
        pltpu.make_async_copy(
            pairs_hbm.at[pl.ds(0, SET)], idx_v.at[p], sem_i[p]).wait()

    def fire_roles(p):
        for b in range(SET):
            pltpu.async_copy(rt_sh.at[idx_v.at[p, b, 1]], rows_v.at[p, b],
                             sem_role)

    def drain_roles(p):
        for b in range(SET):
            pltpu.make_async_copy(rt_sh.at[idx_v.at[p, b, 1]],
                                  rows_v.at[p, b], sem_role).wait()

    def drain_wb(p):
        for b in range(SET):
            pltpu.make_async_copy(rows_v.at[p, b], out_hbm.at[pl.ds(0, G)],
                                  sem_w[p]).wait()

    idx_copy(0, 0)
    idx_wait(0)
    fire_roles(0)
    idx_copy(1, 1)

    @pl.loop(0, N_SUPER, step=2)
    def _super(s0):
        for p in range(2):
            s = s0 + p
            q = 1 - p
            base = base_w + s * (SET * G)
            drain_roles(p)
            cps = [pltpu.async_copy(tok_hbm.at[idx_v.at[p, b, 0]],
                                    rows_v.at[p, b], sem_tok, add=True)
                   for b in range(SET)]

            @pl.when(s >= 1)
            def _():
                drain_wb(q)

            @pl.when(s + 1 < N_SUPER)
            def _():
                idx_wait(q)
                fire_roles(q)

            for cp in cps:
                cp.wait()
            @pl.when(s + 2 < N_SUPER)
            def _():
                idx_copy(s + 2, p)
            for b in range(SET):
                pltpu.async_copy(rows_v.at[p, b],
                                 out_hbm.at[pl.ds(base + b * G, G)], sem_w[p])

    drain_wb((N_SUPER - 1) % 2)


def kernel(idx, role_ids, token_table, role_table):
    idx2d = idx.reshape(N_TOTAL // G, G).astype(jnp.int32)
    role2d = role_ids.reshape(N_TOTAL // G, G).astype(jnp.int32)
    pairs = jnp.stack([idx2d, role2d], axis=1)
    out = _embed(pairs, token_table, role_table)
    return out.reshape(B, L, D)

# --- scband reference (transcript-rebuilt; emitter-appended) ---
"""Pipeline reference for scband-role-embedding-70308614635711 (READ-ONLY COPY).

The authoritative reference and input builder live on the scoring server;
editing this copy changes nothing except your own understanding.
"""

import jax, jax.numpy as jnp
import numpy as np

VOCAB = 1000000
D_MODEL = 64
B = 4096
L = 200

def setup_inputs(seed: int = 0) -> dict:
    key = jax.random.key(seed)
    k1, k2, k3, k4 = jax.random.split(key, 4)
    idx = jax.random.randint(k1, (B, L), 0, VOCAB, dtype=jnp.int64 if jax.config.jax_enable_x64 else jnp.int32)
    role_ids = jax.random.randint(k2, (B, L), 0, 3, dtype=jnp.int64 if jax.config.jax_enable_x64 else jnp.int32)
    token_table = jax.random.normal(k3, (VOCAB, D_MODEL), dtype=jnp.float32)
    role_table = jax.random.normal(k4, (3, D_MODEL), dtype=jnp.float32)
    return {"idx": idx, "role_ids": role_ids, "token_table": token_table, "role_table": role_table}

def reference(idx, role_ids, token_table, role_table):
    x = jnp.take(token_table, idx, axis=0)
    x = x + jnp.take(role_table, role_ids, axis=0)
    return x

if __name__ == "__main__":
    import jax
    _d = setup_inputs()
    print(jax.jit(kernel)(*tuple(_d.values())))

</pallas_src>

<mosaic_0001>
#map = affine_map<(d0, d1) -> (0, 0, 0)>
#map1 = affine_map<(d0, d1) -> (0, 0)>
module attributes {stable_mosaic.version = 14 : i64} {
  func.func @_embed(%arg0: i32, %arg1: i32, %arg2: memref<6400x2x128xi32, #tpu.memory_space<hbm>>, %arg3: memref<1000000x64xf32, #tpu.memory_space<hbm>>, %arg4: memref<3x64xf32, #tpu.memory_space<hbm>>, %arg5: memref<819200x64xf32, #tpu.memory_space<hbm>>, %arg6: memref<2x5x2x128xi32, #tpu.memory_space<vmem>>, %arg7: memref<2x5x128x64xf32, #tpu.memory_space<vmem>>, %arg8: memref<3x64xf32, #tpu.memory_space<vmem_shared>>, %arg9: memref<!tpu.dma_semaphore, #tpu.memory_space<semaphore_mem>>, %arg10: memref<!tpu.dma_semaphore, #tpu.memory_space<semaphore_mem>>, %arg11: memref<!tpu.dma_semaphore, #tpu.memory_space<semaphore_mem>>, %arg12: memref<!tpu.dma_semaphore, #tpu.memory_space<semaphore_mem>>, %arg13: memref<!tpu.dma_semaphore, #tpu.memory_space<semaphore_mem>>, %arg14: memref<!tpu.dma_semaphore, #tpu.memory_space<semaphore_mem>>) attributes {dimension_semantics = [#tpu.dimension_semantics<core_parallel>, #tpu.dimension_semantics<subcore_parallel>], iteration_bounds = array<i64: 2, 16>, scalar_prefetch = 0 : i64, scratch_operands = 9 : i64, tpu.core_type = #tpu.core_type<sc_vector_subcore>, window_params = [{transform_indices = #map}, {transform_indices = #map1}, {transform_indices = #map1}, {transform_indices = #map1}]} {
    %mul3A = arith.constant 2 : i32
    %mul3A_0 = arith.muli %arg1, %mul3A : i32
    %add3A = arith.addi %mul3A_0, %arg0 : i32
    %mul3A_1 = arith.constant 25600 : i32
    %mul3A_2 = arith.muli %add3A, %mul3A_1 : i32
    %jit3A = arith.constant 128 : i32
    %div3A = arith.divsi %mul3A_2, %jit3A : i32
    %sign3A = arith.constant 0 : i32
    %sign3A_3 = arith.cmpi sgt, %mul3A_2, %sign3A : i32
    %sign3A_4 = arith.extui %sign3A_3 : i1 to i32
    %sign3A_5 = arith.constant 0 : i32
    %sign3A_6 = arith.cmpi slt, %mul3A_2, %sign3A_5 : i32
    %sign3A_7 = arith.extui %sign3A_6 : i1 to i32
    %sign3A_8 = arith.subi %sign3A_4, %sign3A_7 : i32
    %sign3A_9 = arith.constant 0 : i32
    %sign3A_10 = arith.cmpi sgt, %jit3A, %sign3A_9 : i32
    %sign3A_11 = arith.extui %sign3A_10 : i1 to i32
    %sign3A_12 = arith.constant 0 : i32
    %sign3A_13 = arith.cmpi slt, %jit3A, %sign3A_12 : i32
    %sign3A_14 = arith.extui %sign3A_13 : i1 to i32
    %sign3A_15 = arith.subi %sign3A_11, %sign3A_14 : i32
    %ne3A = arith.cmpi ne, %sign3A_8, %sign3A_15 : i32
    %rem3A = arith.remsi %mul3A_2, %jit3A : i32
    %ne3A_16 = arith.constant 0 : i32
    %ne3A_17 = arith.cmpi ne, %rem3A, %ne3A_16 : i32
    %and3A = arith.andi %ne3A, %ne3A_17 : i1
    %sub3A = arith.constant 1 : i32
    %sub3A_18 = arith.subi %div3A, %sub3A : i32
    %select_n3A = arith.select %and3A, %sub3A_18, %div3A : i32
    "tpu.region"() ({
      %run_scoped3A = tpu.sem_alloc : memref<!tpu.dma_semaphore, #tpu.memory_space<semaphore_mem>>
      tpu.enqueue_dma source(%arg4 : memref<3x64xf32, #tpu.memory_space<hbm>>) target(%arg8 : memref<3x64xf32, #tpu.memory_space<vmem_shared>>) target_semaphore(%run_scoped3A : memref<!tpu.dma_semaphore, #tpu.memory_space<semaphore_mem>>)
      tpu.wait_dma2 semaphore(%run_scoped3A : memref<!tpu.dma_semaphore, #tpu.memory_space<semaphore_mem>>) src(%arg4 : memref<3x64xf32, #tpu.memory_space<hbm>>) dst(%arg8 : memref<3x64xf32, #tpu.memory_space<vmem_shared>>)
      tpu.yield
    }) : () -> ()
    %add3A_19 = arith.constant 0 : i32
    %add3A_20 = arith.addi %select_n3A, %add3A_19 : i32
    %dma_start3A = arith.constant 0 : i32
    %dma_start3A_21 = arith.constant 0 : i32
    %dma_start3A_22 = arith.constant 0 : i32
    %dma_start3A_23 = arith.constant 0 : i32
    %dma_start3A_24 = tpu.memref_slice %arg6[%dma_start3A, %dma_start3A_21, %dma_start3A_22, %dma_start3A_23] : memref<2x5x2x128xi32, #tpu.memory_space<vmem>> -> memref<1x5x2x128xi32, #tpu.memory_space<vmem>>
    %dma_start3A_25 = tpu.memref_squeeze %dma_start3A_24 : memref<1x5x2x128xi32, #tpu.memory_space<vmem>> -> memref<5x2x128xi32, #tpu.memory_space<vmem>>
    %dma_start3A_26 = arith.constant 0 : i32
    %dma_start3A_27 = arith.constant 0 : i32
    %dma_start3A_28 = tpu.memref_slice %arg2[%add3A_20, %dma_start3A_26, %dma_start3A_27] : memref<6400x2x128xi32, #tpu.memory_space<hbm>> -> memref<5x2x128xi32, #tpu.memory_space<hbm>>
    %dma_start3A_29 = arith.constant 0 : i32
    %dma_start3A_30 = arith.constant 0 : i32
    %dma_start3A_31 = arith.constant 0 : i32
    %dma_start3A_32 = tpu.memref_slice %arg6[%dma_start3A, %dma_start3A_29, %dma_start3A_30, %dma_start3A_31] : memref<2x5x2x128xi32, #tpu.memory_space<vmem>> -> memref<1x5x2x128xi32, #tpu.memory_space<vmem>>
    %dma_start3A_33 = tpu.memref_squeeze %dma_start3A_32 : memref<1x5x2x128xi32, #tpu.memory_space<vmem>> -> memref<5x2x128xi32, #tpu.memory_space<vmem>>
    %dma_start3A_34 = arith.constant 0 : i32
    %dma_start3A_35 = arith.constant 0 : i32
    %dma_start3A_36 = tpu.memref_slice %arg2[%add3A_20, %dma_start3A_34, %dma_start3A_35] : memref<6400x2x128xi32, #tpu.memory_space<hbm>> -> memref<5x2x128xi32, #tpu.memory_space<hbm>>
    tpu.enqueue_dma source(%dma_start3A_36 : memref<5x2x128xi32, #tpu.memory_space<hbm>>) target(%dma_start3A_33 : memref<5x2x128xi32, #tpu.memory_space<vmem>>) target_semaphore(%arg9 : memref<!tpu.dma_semaphore, #tpu.memory_space<semaphore_mem>>)
    %dma_wait3A = arith.constant 0 : i32
    %dma_wait3A_37 = arith.constant 0 : i32
    %dma_wait3A_38 = arith.constant 0 : i32
    %dma_wait3A_39 = arith.constant 0 : i32
    %dma_wait3A_40 = tpu.memref_slice %arg6[%dma_wait3A, %dma_wait3A_37, %dma_wait3A_38, %dma_wait3A_39] : memref<2x5x2x128xi32, #tpu.memory_space<vmem>> -> memref<1x5x2x128xi32, #tpu.memory_space<vmem>>
    %dma_wait3A_41 = tpu.memref_squeeze %dma_wait3A_40 : memref<1x5x2x128xi32, #tpu.memory_space<vmem>> -> memref<5x2x128xi32, #tpu.memory_space<vmem>>
    %dma_wait3A_42 = arith.constant 0 : i32
    %dma_wait3A_43 = arith.constant 0 : i32
    %dma_wait3A_44 = arith.constant 0 : i32
    %dma_wait3A_45 = tpu.memref_slice %arg2[%dma_wait3A_42, %dma_wait3A_43, %dma_wait3A_44] : memref<6400x2x128xi32, #tpu.memory_space<hbm>> -> memref<5x2x128xi32, #tpu.memory_space<hbm>>
    %dma_wait3A_46 = arith.constant 0 : i32
    %dma_wait3A_47 = arith.constant 0 : i32
    %dma_wait3A_48 = arith.constant 0 : i32
    %dma_wait3A_49 = tpu.memref_slice %arg6[%dma_wait3A, %dma_wait3A_46, %dma_wait3A_47, %dma_wait3A_48] : memref<2x5x2x128xi32, #tpu.memory_space<vmem>> -> memref<1x5x2x128xi32, #tpu.memory_space<vmem>>
    %dma_wait3A_50 = tpu.memref_squeeze %dma_wait3A_49 : memref<1x5x2x128xi32, #tpu.memory_space<vmem>> -> memref<5x2x128xi32, #tpu.memory_space<vmem>>
    %dma_wait3A_51 = arith.constant 0 : i32
    %dma_wait3A_52 = arith.constant 0 : i32
    %dma_wait3A_53 = arith.constant 0 : i32
    %dma_wait3A_54 = tpu.memref_slice %arg2[%dma_wait3A_51, %dma_wait3A_52, %dma_wait3A_53] : memref<6400x2x128xi32, #tpu.memory_space<hbm>> -> memref<5x2x128xi32, #tpu.memory_space<hbm>>
    tpu.wait_dma2 semaphore(%arg9 : memref<!tpu.dma_semaphore, #tpu.memory_space<semaphore_mem>>) src(%dma_wait3A_54 : memref<5x2x128xi32, #tpu.memory_space<hbm>>) dst(%dma_wait3A_50 : memref<5x2x128xi32, #tpu.memory_space<vmem>>)
    %dma_start3A_55 = arith.constant 0 : i32
    %dma_start3A_56 = arith.constant 0 : i32
    %dma_start3A_57 = arith.constant 1 : i32
    %dma_start3A_58 = arith.constant 0 : i32
    %dma_start3A_59 = arith.constant 0 : i32
    %dma_start3A_60 = arith.constant 0 : i32
    %dma_start3A_61 = arith.constant 0 : i32
    %dma_start3A_62 = tpu.memref_slice %arg7[%dma_start3A_58, %dma_start3A_59, %dma_start3A_60, %dma_start3A_61] : memref<2x5x128x64xf32, #tpu.memory_space<vmem>> -> memref<1x1x128x64xf32, #tpu.memory_space<vmem>>
    %dma_start3A_63 = tpu.memref_squeeze %dma_start3A_62 : memref<1x1x128x64xf32, #tpu.memory_space<vmem>> -> memref<128x64xf32, #tpu.memory_space<vmem>>
    %dma_start3A_64 = arith.constant 0 : i32
    %dma_start3A_65 = tpu.memref_slice %arg6[%dma_start3A_55, %dma_start3A_56, %dma_start3A_57, %dma_start3A_64] : memref<2x5x2x128xi32, #tpu.memory_space<vmem>> -> memref<1x1x1x128xi32, #tpu.memory_space<vmem>>
    %dma_start3A_66 = tpu.memref_squeeze %dma_start3A_65 : memref<1x1x1x128xi32, #tpu.memory_space<vmem>> -> memref<128xi32, #tpu.memory_space<vmem>>
    %dma_start3A_67 = arith.constant 0 : i32
    %dma_start3A_68 = arith.constant 0 : i32
    %dma_start3A_69 = tpu.memref_slice %arg8[%dma_start3A_67, %dma_start3A_68] : memref<3x64xf32, #tpu.memory_space<vmem_shared>> -> memref<3x64xf32, #tpu.memory_space<vmem_shared>>
    tpu.enqueue_indirect_dma source(%dma_start3A_69 : memref<3x64xf32, #tpu.memory_space<vmem_shared>>) target(%dma_start3A_63 : memref<128x64xf32, #tpu.memory_space<vmem>>) offsets(%dma_start3A_66 : memref<128xi32, #tpu.memory_space<vmem>>) semaphore(%arg11 : memref<!tpu.dma_semaphore, #tpu.memory_space<semaphore_mem>>)
    %dma_start3A_70 = arith.constant 0 : i32
    %dma_start3A_71 = arith.constant 1 : i32
    %dma_start3A_72 = arith.constant 1 : i32
    %dma_start3A_73 = arith.constant 0 : i32
    %dma_start3A_74 = arith.constant 1 : i32
    %dma_start3A_75 = arith.constant 0 : i32
    %dma_start3A_76 = arith.constant 0 : i32
    %dma_start3A_77 = tpu.memref_slice %arg7[%dma_start3A_73, %dma_start3A_74, %dma_start3A_75, %dma_start3A_76] : memref<2x5x128x64xf32, #tpu.memory_space<vmem>> -> memref<1x1x128x64xf32, #tpu.memory_space<vmem>>
    %dma_start3A_78 = tpu.memref_squeeze %dma_start3A_77 : memref<1x1x128x64xf32, #tpu.memory_space<vmem>> -> memref<128x64xf32, #tpu.memory_space<vmem>>
    %dma_start3A_79 = arith.constant 0 : i32
    %dma_start3A_80 = tpu.memref_slice %arg6[%dma_start3A_70, %dma_start3A_71, %dma_start3A_72, %dma_start3A_79] : memref<2x5x2x128xi32, #tpu.memory_space<vmem>> -> memref<1x1x1x128xi32, #tpu.memory_space<vmem>>
    %dma_start3A_81 = tpu.memref_squeeze %dma_start3A_80 : memref<1x1x1x128xi32, #tpu.memory_space<vmem>> -> memref<128xi32, #tpu.memory_space<vmem>>
    %dma_start3A_82 = arith.constant 0 : i32
    %dma_start3A_83 = arith.constant 0 : i32
    %dma_start3A_84 = tpu.memref_slice %arg8[%dma_start3A_82, %dma_start3A_83] : memref<3x64xf32, #tpu.memory_space<vmem_shared>> -> memref<3x64xf32, #tpu.memory_space<vmem_shared>>
    tpu.enqueue_indirect_dma source(%dma_start3A_84 : memref<3x64xf32, #tpu.memory_space<vmem_shared>>) target(%dma_start3A_78 : memref<128x64xf32, #tpu.memory_space<vmem>>) offsets(%dma_start3A_81 : memref<128xi32, #tpu.memory_space<vmem>>) semaphore(%arg11 : memref<!tpu.dma_semaphore, #tpu.memory_space<semaphore_mem>>)
    %dma_start3A_85 = arith.constant 0 : i32
    %dma_start3A_86 = arith.constant 2 : i32
    %dma_start3A_87 = arith.constant 1 : i32
    %dma_start3A_88 = arith.constant 0 : i32
    %dma_start3A_89 = arith.constant 2 : i32
    %dma_start3A_90 = arith.constant 0 : i32
    %dma_start3A_91 = arith.constant 0 : i32
    %dma_start3A_92 = tpu.memref_slice %arg7[%dma_start3A_88, %dma_start3A_89, %dma_start3A_90, %dma_start3A_91] : memref<2x5x128x64xf32, #tpu.memory_space<vmem>> -> memref<1x1x128x64xf32, #tpu.memory_space<vmem>>
    %dma_start3A_93 = tpu.memref_squeeze %dma_start3A_92 : memref<1x1x128x64xf32, #tpu.memory_space<vmem>> -> memref<128x64xf32, #tpu.memory_space<vmem>>
    %dma_start3A_94 = arith.constant 0 : i32
    %dma_start3A_95 = tpu.memref_slice %arg6[%dma_start3A_85, %dma_start3A_86, %dma_start3A_87, %dma_start3A_94] : memref<2x5x2x128xi32, #tpu.memory_space<vmem>> -> memref<1x1x1x128xi32, #tpu.memory_space<vmem>>
    %dma_start3A_96 = tpu.memref_squeeze %dma_start3A_95 : memref<1x1x1x128xi32, #tpu.memory_space<vmem>> -> memref<128xi32, #tpu.memory_space<vmem>>
    %dma_start3A_97 = arith.constant 0 : i32
    %dma_start3A_98 = arith.constant 0 : i32
    %dma_start3A_99 = tpu.memref_slice %arg8[%dma_start3A_97, %dma_start3A_98] : memref<3x64xf32, #tpu.memory_space<vmem_shared>> -> memref<3x64xf32, #tpu.memory_space<vmem_shared>>
    tpu.enqueue_indirect_dma source(%dma_start3A_99 : memref<3x64xf32, #tpu.memory_space<vmem_shared>>) target(%dma_start3A_93 : memref<128x64xf32, #tpu.memory_space<vmem>>) offsets(%dma_start3A_96 : memref<128xi32, #tpu.memory_space<vmem>>) semaphore(%arg11 : memref<!tpu.dma_semaphore, #tpu.memory_space<semaphore_mem>>)
    %dma_start3A_100 = arith.constant 0 : i32
    %dma_start3A_101 = arith.constant 3 : i32
    %dma_start3A_102 = arith.constant 1 : i32
    %dma_start3A_103 = arith.constant 0 : i32
    %dma_start3A_104 = arith.constant 3 : i32
    %dma_start3A_105 = arith.constant 0 : i32
    %dma_start3A_106 = arith.constant 0 : i32
    %dma_start3A_107 = tpu.memref_slice %arg7[%dma_start3A_103, %dma_start3A_104, %dma_start3A_105, %dma_start3A_106] : memref<2x5x128x64xf32, #tpu.memory_space<vmem>> -> memref<1x1x128x64xf32, #tpu.memory_space<vmem>>
    %dma_start3A_108 = tpu.memref_squeeze %dma_start3A_107 : memref<1x1x128x64xf32, #tpu.memory_space<vmem>> -> memref<128x64xf32, #tpu.memory_space<vmem>>
    %dma_start3A_109 = arith.constant 0 : i32
    %dma_start3A_110 = tpu.memref_slice %arg6[%dma_start3A_100, %dma_start3A_101, %dma_start3A_102, %dma_start3A_109] : memref<2x5x2x128xi32, #tpu.memory_space<vmem>> -> memref<1x1x1x128xi32, #tpu.memory_space<vmem>>
    %dma_start3A_111 = tpu.memref_squeeze %dma_start3A_110 : memref<1x1x1x128xi32, #tpu.memory_space<vmem>> -> memref<128xi32, #tpu.memory_space<vmem>>
    %dma_start3A_112 = arith.constant 0 : i32
    %dma_start3A_113 = arith.constant 0 : i32
    %dma_start3A_114 = tpu.memref_slice %arg8[%dma_start3A_112, %dma_start3A_113] : memref<3x64xf32, #tpu.memory_space<vmem_shared>> -> memref<3x64xf32, #tpu.memory_space<vmem_shared>>
    tpu.enqueue_indirect_dma source(%dma_start3A_114 : memref<3x64xf32, #tpu.memory_space<vmem_shared>>) target(%dma_start3A_108 : memref<128x64xf32, #tpu.memory_space<vmem>>) offsets(%dma_start3A_111 : memref<128xi32, #tpu.memory_space<vmem>>) semaphore(%arg11 : memref<!tpu.dma_semaphore, #tpu.memory_space<semaphore_mem>>)
    %dma_start3A_115 = arith.constant 0 : i32
    %dma_start3A_116 = arith.constant 4 : i32
    %dma_start3A_117 = arith.constant 1 : i32
    %dma_start3A_118 = arith.constant 0 : i32
    %dma_start3A_119 = arith.constant 4 : i32
    %dma_start3A_120 = arith.constant 0 : i32
    %dma_start3A_121 = arith.constant 0 : i32
    %dma_start3A_122 = tpu.memref_slice %arg7[%dma_start3A_118, %dma_start3A_119, %dma_start3A_120, %dma_start3A_121] : memref<2x5x128x64xf32, #tpu.memory_space<vmem>> -> memref<1x1x128x64xf32, #tpu.memory_space<vmem>>
    %dma_start3A_123 = tpu.memref_squeeze %dma_start3A_122 : memref<1x1x128x64xf32, #tpu.memory_space<vmem>> -> memref<128x64xf32, #tpu.memory_space<vmem>>
    %dma_start3A_124 = arith.constant 0 : i32
    %dma_start3A_125 = tpu.memref_slice %arg6[%dma_start3A_115, %dma_start3A_116, %dma_start3A_117, %dma_start3A_124] : memref<2x5x2x128xi32, #tpu.memory_space<vmem>> -> memref<1x1x1x128xi32, #tpu.memory_space<vmem>>
    %dma_start3A_126 = tpu.memref_squeeze %dma_start3A_125 : memref<1x1x1x128xi32, #tpu.memory_space<vmem>> -> memref<128xi32, #tpu.memory_space<vmem>>
    %dma_start3A_127 = arith.constant 0 : i32
    %dma_start3A_128 = arith.constant 0 : i32
    %dma_start3A_129 = tpu.memref_slice %arg8[%dma_start3A_127, %dma_start3A_128] : memref<3x64xf32, #tpu.memory_space<vmem_shared>> -> memref<3x64xf32, #tpu.memory_space<vmem_shared>>
    tpu.enqueue_indirect_dma source(%dma_start3A_129 : memref<3x64xf32, #tpu.memory_space<vmem_shared>>) target(%dma_start3A_123 : memref<128x64xf32, #tpu.memory_space<vmem>>) offsets(%dma_start3A_126 : memref<128xi32, #tpu.memory_space<vmem>>) semaphore(%arg11 : memref<!tpu.dma_semaphore, #tpu.memory_space<semaphore_mem>>)
    %add3A_130 = arith.constant 5 : i32
    %add3A_131 = arith.addi %select_n3A, %add3A_130 : i32
    %dma_start3A_132 = arith.constant 1 : i32
    %dma_start3A_133 = arith.constant 0 : i32
    %dma_start3A_134 = arith.constant 0 : i32
    %dma_start3A_135 = arith.constant 0 : i32
    %dma_start3A_136 = tpu.memref_slice %arg6[%dma_start3A_132, %dma_start3A_133, %dma_start3A_134, %dma_start3A_135] : memref<2x5x2x128xi32, #tpu.memory_space<vmem>> -> memref<1x5x2x128xi32, #tpu.memory_space<vmem>>
    %dma_start3A_137 = tpu.memref_squeeze %dma_start3A_136 : memref<1x5x2x128xi32, #tpu.memory_space<vmem>> -> memref<5x2x128xi32, #tpu.memory_space<vmem>>
    %dma_start3A_138 = arith.constant 0 : i32
    %dma_start3A_139 = arith.constant 0 : i32
    %dma_start3A_140 = tpu.memref_slice %arg2[%add3A_131, %dma_start3A_138, %dma_start3A_139] : memref<6400x2x128xi32, #tpu.memory_space<hbm>> -> memref<5x2x128xi32, #tpu.memory_space<hbm>>
    %dma_start3A_141 = arith.constant 0 : i32
    %dma_start3A_142 = arith.constant 0 : i32
    %dma_start3A_143 = arith.constant 0 : i32
    %dma_start3A_144 = tpu.memref_slice %arg6[%dma_start3A_132, %dma_start3A_141, %dma_start3A_142, %dma_start3A_143] : memref<2x5x2x128xi32, #tpu.memory_space<vmem>> -> memref<1x5x2x128xi32, #tpu.memory_space<vmem>>
    %dma_start3A_145 = tpu.memref_squeeze %dma_start3A_144 : memref<1x5x2x128xi32, #tpu.memory_space<vmem>> -> memref<5x2x128xi32, #tpu.memory_space<vmem>>
    %dma_start3A_146 = arith.constant 0 : i32
    %dma_start3A_147 = arith.constant 0 : i32
    %dma_start3A_148 = tpu.memref_slice %arg2[%add3A_131, %dma_start3A_146, %dma_start3A_147] : memref<6400x2x128xi32, #tpu.memory_space<hbm>> -> memref<5x2x128xi32, #tpu.memory_space<hbm>>
    tpu.enqueue_dma source(%dma_start3A_148 : memref<5x2x128xi32, #tpu.memory_space<hbm>>) target(%dma_start3A_145 : memref<5x2x128xi32, #tpu.memory_space<vmem>>) target_semaphore(%arg10 : memref<!tpu.dma_semaphore, #tpu.memory_space<semaphore_mem>>)
    %scan3A = arith.constant 0 : i32
    %scan3A_149 = arith.constant 20 : i32
    %scan3A_150 = arith.addi %scan3A, %scan3A_149 : i32
    %scan3A_151 = arith.constant 1 : i32
    scf.for %scan3A_233 = %scan3A to %scan3A_150 step %scan3A_151  : i32 {
      %mul3A_234 = arith.constant 2 : i32
      %mul3A_235 = arith.muli %scan3A_233, %mul3A_234 : i32
      %add3A_236 = arith.constant 0 : i32
      %add3A_237 = arith.addi %add3A_236, %mul3A_235 : i32
      %add3A_238 = arith.constant 0 : i32
      %add3A_239 = arith.addi %add3A_237, %add3A_238 : i32
      %mul3A_240 = arith.constant 640 : i32
      %mul3A_241 = arith.muli %add3A_239, %mul3A_240 : i32
      %add3A_242 = arith.addi %mul3A_2, %mul3A_241 : i32
      %dma_wait3A_243 = arith.constant 0 : i32
      %dma_wait3A_244 = arith.constant 0 : i32
      %dma_wait3A_245 = arith.constant 1 : i32
      %dma_wait3A_246 = arith.constant 0 : i32
      %dma_wait3A_247 = arith.constant 0 : i32
      %dma_wait3A_248 = arith.constant 0 : i32
      %dma_wait3A_249 = arith.constant 0 : i32
      %dma_wait3A_250 = tpu.memref_slice %arg7[%dma_wait3A_246, %dma_wait3A_247, %dma_wait3A_248, %dma_wait3A_249] : memref<2x5x128x64xf32, #tpu.memory_space<vmem>> -> memref<1x1x128x64xf32, #tpu.memory_space<vmem>>
      %dma_wait3A_251 = tpu.memref_squeeze %dma_wait3A_250 : memref<1x1x128x64xf32, #tpu.memory_space<vmem>> -> memref<128x64xf32, #tpu.memory_space<vmem>>
      %dma_wait3A_252 = arith.constant 0 : i32
      %dma_wait3A_253 = tpu.memref_slice %arg6[%dma_wait3A_243, %dma_wait3A_244, %dma_wait3A_245, %dma_wait3A_252] : memref<2x5x2x128xi32, #tpu.memory_space<vmem>> -> memref<1x1x1x128xi32, #tpu.memory_space<vmem>>
      %dma_wait3A_254 = tpu.memref_squeeze %dma_wait3A_253 : memref<1x1x1x128xi32, #tpu.memory_space<vmem>> -> memref<128xi32, #tpu.memory_space<vmem>>
      %dma_wait3A_255 = arith.constant 0 : i32
      %dma_wait3A_256 = arith.constant 0 : i32
      %dma_wait3A_257 = tpu.memref_slice %arg8[%dma_wait3A_255, %dma_wait3A_256] : memref<3x64xf32, #tpu.memory_space<vmem_shared>> -> memref<3x64xf32, #tpu.memory_space<vmem_shared>>
      tpu.wait_indirect_dma semaphore(%arg11 : memref<!tpu.dma_semaphore, #tpu.memory_space<semaphore_mem>>) src(%dma_wait3A_257 : memref<3x64xf32, #tpu.memory_space<vmem_shared>>) dst(%dma_wait3A_251 : memref<128x64xf32, #tpu.memory_space<vmem>>)
      %dma_wait3A_258 = arith.constant 0 : i32
      %dma_wait3A_259 = arith.constant 1 : i32
      %dma_wait3A_260 = arith.constant 1 : i32
      %dma_wait3A_261 = arith.constant 0 : i32
      %dma_wait3A_262 = arith.constant 1 : i32
      %dma_wait3A_263 = arith.constant 0 : i32
      %dma_wait3A_264 = arith.constant 0 : i32
      %dma_wait3A_265 = tpu.memref_slice %arg7[%dma_wait3A_261, %dma_wait3A_262, %dma_wait3A_263, %dma_wait3A_264] : memref<2x5x128x64xf32, #tpu.memory_space<vmem>> -> memref<1x1x128x64xf32, #tpu.memory_space<vmem>>
      %dma_wait3A_266 = tpu.memref_squeeze %dma_wait3A_265 : memref<1x1x128x64xf32, #tpu.memory_space<vmem>> -> memref<128x64xf32, #tpu.memory_space<vmem>>
      %dma_wait3A_267 = arith.constant 0 : i32
      %dma_wait3A_268 = tpu.memref_slice %arg6[%dma_wait3A_258, %dma_wait3A_259, %dma_wait3A_260, %dma_wait3A_267] : memref<2x5x2x128xi32, #tpu.memory_space<vmem>> -> memref<1x1x1x128xi32, #tpu.memory_space<vmem>>
      %dma_wait3A_269 = tpu.memref_squeeze %dma_wait3A_268 : memref<1x1x1x128xi32, #tpu.memory_space<vmem>> -> memref<128xi32, #tpu.memory_space<vmem>>
      %dma_wait3A_270 = arith.constant 0 : i32
      %dma_wait3A_271 = arith.constant 0 : i32
      %dma_wait3A_272 = tpu.memref_slice %arg8[%dma_wait3A_270, %dma_wait3A_271] : memref<3x64xf32, #tpu.memory_space<vmem_shared>> -> memref<3x64xf32, #tpu.memory_space<vmem_shared>>
      tpu.wait_indirect_dma semaphore(%arg11 : memref<!tpu.dma_semaphore, #tpu.memory_space<semaphore_mem>>) src(%dma_wait3A_272 : memref<3x64xf32, #tpu.memory_space<vmem_shared>>) dst(%dma_wait3A_266 : memref<128x64xf32, #tpu.memory_space<vmem>>)
      %dma_wait3A_273 = arith.constant 0 : i32
      %dma_wait3A_274 = arith.constant 2 : i32
      %dma_wait3A_275 = arith.constant 1 : i32
      %dma_wait3A_276 = arith.constant 0 : i32
      %dma_wait3A_277 = arith.constant 2 : i32
      %dma_wait3A_278 = arith.constant 0 : i32
      %dma_wait3A_279 = arith.constant 0 : i32
      %dma_wait3A_280 = tpu.memref_slice %arg7[%dma_wait3A_276, %dma_wait3A_277, %dma_wait3A_278, %dma_wait3A_279] : memref<2x5x128x64xf32, #tpu.memory_space<vmem>> -> memref<1x1x128x64xf32, #tpu.memory_space<vmem>>
      %dma_wait3A_281 = tpu.memref_squeeze %dma_wait3A_280 : memref<1x1x128x64xf32, #tpu.memory_space<vmem>> -> memref<128x64xf32, #tpu.memory_space<vmem>>
      %dma_wait3A_282 = arith.constant 0 : i32
      %dma_wait3A_283 = tpu.memref_slice %arg6[%dma_wait3A_273, %dma_wait3A_274, %dma_wait3A_275, %dma_wait3A_282] : memref<2x5x2x128xi32, #tpu.memory_space<vmem>> -> memref<1x1x1x128xi32, #tpu.memory_space<vmem>>
      %dma_wait3A_284 = tpu.memref_squeeze %dma_wait3A_283 : memref<1x1x1x128xi32, #tpu.memory_space<vmem>> -> memref<128xi32, #tpu.memory_space<vmem>>
      %dma_wait3A_285 = arith.constant 0 : i32
      %dma_wait3A_286 = arith.constant 0 : i32
      %dma_wait3A_287 = tpu.memref_slice %arg8[%dma_wait3A_285, %dma_wait3A_286] : memref<3x64xf32, #tpu.memory_space<vmem_shared>> -> memref<3x64xf32, #tpu.memory_space<vmem_shared>>
      tpu.wait_indirect_dma semaphore(%arg11 : memref<!tpu.dma_semaphore, #tpu.memory_space<semaphore_mem>>) src(%dma_wait3A_287 : memref<3x64xf32, #tpu.memory_space<vmem_shared>>) dst(%dma_wait3A_281 : memref<128x64xf32, #tpu.memory_space<vmem>>)
      %dma_wait3A_288 = arith.constant 0 : i32
      %dma_wait3A_289 = arith.constant 3 : i32
      %dma_wait3A_290 = arith.constant 1 : i32
      %dma_wait3A_291 = arith.constant 0 : i32
      %dma_wait3A_292 = arith.constant 3 : i32
      %dma_wait3A_293 = arith.constant 0 : i32
      %dma_wait3A_294 = arith.constant 0 : i32
      %dma_wait3A_295 = tpu.memref_slice %arg7[%dma_wait3A_291, %dma_wait3A_292, %dma_wait3A_293, %dma_wait3A_294] : memref<2x5x128x64xf32, #tpu.memory_space<vmem>> -> memref<1x1x128x64xf32, #tpu.memory_space<vmem>>
      %dma_wait3A_296 = tpu.memref_squeeze %dma_wait3A_295 : memref<1x1x128x64xf32, #tpu.memory_space<vmem>> -> memref<128x64xf32, #tpu.memory_space<vmem>>
      %dma_wait3A_297 = arith.constant 0 : i32
      %dma_wait3A_298 = tpu.memref_slice %arg6[%dma_wait3A_288, %dma_wait3A_289, %dma_wait3A_290, %dma_wait3A_297] : memref<2x5x2x128xi32, #tpu.memory_space<vmem>> -> memref<1x1x1x128xi32, #tpu.memory_space<vmem>>
      %dma_wait3A_299 = tpu.memref_squeeze %dma_wait3A_298 : memref<1x1x1x128xi32, #tpu.memory_space<vmem>> -> memref<128xi32, #tpu.memory_space<vmem>>
      %dma_wait3A_300 = arith.constant 0 : i32
      %dma_wait3A_301 = arith.constant 0 : i32
      %dma_wait3A_302 = tpu.memref_slice %arg8[%dma_wait3A_300, %dma_wait3A_301] : memref<3x64xf32, #tpu.memory_space<vmem_shared>> -> memref<3x64xf32, #tpu.memory_space<vmem_shared>>
      tpu.wait_indirect_dma semaphore(%arg11 : memref<!tpu.dma_semaphore, #tpu.memory_space<semaphore_mem>>) src(%dma_wait3A_302 : memref<3x64xf32, #tpu.memory_space<vmem_shared>>) dst(%dma_wait3A_296 : memref<128x64xf32, #tpu.memory_space<vmem>>)
      %dma_wait3A_303 = arith.constant 0 : i32
      %dma_wait3A_304 = arith.constant 4 : i32
      %dma_wait3A_305 = arith.constant 1 : i32
      %dma_wait3A_306 = arith.constant 0 : i32
      %dma_wait3A_307 = arith.constant 4 : i32
      %dma_wait3A_308 = arith.constant 0 : i32
      %dma_wait3A_309 = arith.constant 0 : i32
      %dma_wait3A_310 = tpu.memref_slice %arg7[%dma_wait3A_306, %dma_wait3A_307, %dma_wait3A_308, %dma_wait3A_309] : memref<2x5x128x64xf32, #tpu.memory_space<vmem>> -> memref<1x1x128x64xf32, #tpu.memory_space<vmem>>
      %dma_wait3A_311 = tpu.memref_squeeze %dma_wait3A_310 : memref<1x1x128x64xf32, #tpu.memory_space<vmem>> -> memref<128x64xf32, #tpu.memory_space<vmem>>
      %dma_wait3A_312 = arith.constant 0 : i32
      %dma_wait3A_313 = tpu.memref_slice %arg6[%dma_wait3A_303, %dma_wait3A_304, %dma_wait3A_305, %dma_wait3A_312] : memref<2x5x2x128xi32, #tpu.memory_space<vmem>> -> memref<1x1x1x128xi32, #tpu.memory_space<vmem>>
      %dma_wait3A_314 = tpu.memref_squeeze %dma_wait3A_313 : memref<1x1x1x128xi32, #tpu.memory_space<vmem>> -> memref<128xi32, #tpu.memory_space<vmem>>
      %dma_wait3A_315 = arith.constant 0 : i32
      %dma_wait3A_316 = arith.constant 0 : i32
      %dma_wait3A_317 = tpu.memref_slice %arg8[%dma_wait3A_315, %dma_wait3A_316] : memref<3x64xf32, #tpu.memory_space<vmem_shared>> -> memref<3x64xf32, #tpu.memory_space<vmem_shared>>
      tpu.wait_indirect_dma semaphore(%arg11 : memref<!tpu.dma_semaphore, #tpu.memory_space<semaphore_mem>>) src(%dma_wait3A_317 : memref<3x64xf32, #tpu.memory_space<vmem_shared>>) dst(%dma_wait3A_311 : memref<128x64xf32, #tpu.memory_space<vmem>>)
      %dma_start3A_318 = arith.constant 0 : i32
      %dma_start3A_319 = arith.constant 0 : i32
      %dma_start3A_320 = arith.constant 0 : i32
      %dma_start3A_321 = arith.constant 0 : i32
      %dma_start3A_322 = arith.constant 0 : i32
      %dma_start3A_323 = arith.constant 0 : i32
      %dma_start3A_324 = arith.constant 0 : i32
      %dma_start3A_325 = tpu.memref_slice %arg7[%dma_start3A_321, %dma_start3A_322, %dma_start3A_323, %dma_start3A_324] : memref<2x5x128x64xf32, #tpu.memory_space<vmem>> -> memref<1x1x128x64xf32, #tpu.memory_space<vmem>>
      %dma_start3A_326 = tpu.memref_squeeze %dma_start3A_325 : memref<1x1x128x64xf32, #tpu.memory_space<vmem>> -> memref<128x64xf32, #tpu.memory_space<vmem>>
      %dma_start3A_327 = arith.constant 0 : i32
      %dma_start3A_328 = tpu.memref_slice %arg6[%dma_start3A_318, %dma_start3A_319, %dma_start3A_320, %dma_start3A_327] : memref<2x5x2x128xi32, #tpu.memory_space<vmem>> -> memref<1x1x1x128xi32, #tpu.memory_space<vmem>>
      %dma_start3A_329 = tpu.memref_squeeze %dma_start3A_328 : memref<1x1x1x128xi32, #tpu.memory_space<vmem>> -> memref<128xi32, #tpu.memory_space<vmem>>
      %dma_start3A_330 = arith.constant 0 : i32
      %dma_start3A_331 = arith.constant 0 : i32
      %dma_start3A_332 = tpu.memref_slice %arg3[%dma_start3A_330, %dma_start3A_331] : memref<1000000x64xf32, #tpu.memory_space<hbm>> -> memref<1000000x64xf32, #tpu.memory_space<hbm>>
      tpu.enqueue_indirect_dma source(%dma_start3A_332 : memref<1000000x64xf32, #tpu.memory_space<hbm>>) target(%dma_start3A_326 : memref<128x64xf32, #tpu.memory_space<vmem>>) offsets(%dma_start3A_329 : memref<128xi32, #tpu.memory_space<vmem>>) semaphore(%arg12 : memref<!tpu.dma_semaphore, #tpu.memory_space<semaphore_mem>>) {add = true}
      %dma_start3A_333 = arith.constant 0 : i32
      %dma_start3A_334 = arith.constant 1 : i32
      %dma_start3A_335 = arith.constant 0 : i32
      %dma_start3A_336 = arith.constant 0 : i32
      %dma_start3A_337 = arith.constant 1 : i32
      %dma_start3A_338 = arith.constant 0 : i32
      %dma_start3A_339 = arith.constant 0 : i32
      %dma_start3A_340 = tpu.memref_slice %arg7[%dma_start3A_336, %dma_start3A_337, %dma_start3A_338, %dma_start3A_339] : memref<2x5x128x64xf32, #tpu.memory_space<vmem>> -> memref<1x1x128x64xf32, #tpu.memory_space<vmem>>
      %dma_start3A_341 = tpu.memref_squeeze %dma_start3A_340 : memref<1x1x128x64xf32, #tpu.memory_space<vmem>> -> memref<128x64xf32, #tpu.memory_space<vmem>>
      %dma_start3A_342 = arith.constant 0 : i32
      %dma_start3A_343 = tpu.memref_slice %arg6[%dma_start3A_333, %dma_start3A_334, %dma_start3A_335, %dma_start3A_342] : memref<2x5x2x128xi32, #tpu.memory_space<vmem>> -> memref<1x1x1x128xi32, #tpu.memory_space<vmem>>
      %dma_start3A_344 = tpu.memref_squeeze %dma_start3A_343 : memref<1x1x1x128xi32, #tpu.memory_space<vmem>> -> memref<128xi32, #tpu.memory_space<vmem>>
      %dma_start3A_345 = arith.constant 0 : i32
      %dma_start3A_346 = arith.constant 0 : i32
      %dma_start3A_347 = tpu.memref_slice %arg3[%dma_start3A_345, %dma_start3A_346] : memref<1000000x64xf32, #tpu.memory_space<hbm>> -> memref<1000000x64xf32, #tpu.memory_space<hbm>>
      tpu.enqueue_indirect_dma source(%dma_start3A_347 : memref<1000000x64xf32, #tpu.memory_space<hbm>>) target(%dma_start3A_341 : memref<128x64xf32, #tpu.memory_space<vmem>>) offsets(%dma_start3A_344 : memref<128xi32, #tpu.memory_space<vmem>>) semaphore(%arg12 : memref<!tpu.dma_semaphore, #tpu.memory_space<semaphore_mem>>) {add = true}
      %dma_start3A_348 = arith.constant 0 : i32
      %dma_start3A_349 = arith.constant 2 : i32
      %dma_start3A_350 = arith.constant 0 : i32
      %dma_start3A_351 = arith.constant 0 : i32
      %dma_start3A_352 = arith.constant 2 : i32
      %dma_start3A_353 = arith.constant 0 : i32
      %dma_start3A_354 = arith.constant 0 : i32
      %dma_start3A_355 = tpu.memref_slice %arg7[%dma_start3A_351, %dma_start3A_352, %dma_start3A_353, %dma_start3A_354] : memref<2x5x128x64xf32, #tpu.memory_space<vmem>> -> memref<1x1x128x64xf32, #tpu.memory_space<vmem>>
      %dma_start3A_356 = tpu.memref_squeeze %dma_start3A_355 : memref<1x1x128x64xf32, #tpu.memory_space<vmem>> -> memref<128x64xf32, #tpu.memory_space<vmem>>
      %dma_start3A_357 = arith.constant 0 : i32
      %dma_start3A_358 = tpu.memref_slice %arg6[%dma_start3A_348, %dma_start3A_349, %dma_start3A_350, %dma_start3A_357] : memref<2x5x2x128xi32, #tpu.memory_space<vmem>> -> memref<1x1x1x128xi32, #tpu.memory_space<vmem>>
      %dma_start3A_359 = tpu.memref_squeeze %dma_start3A_358 : memref<1x1x1x128xi32, #tpu.memory_space<vmem>> -> memref<128xi32, #tpu.memory_space<vmem>>
      %dma_start3A_360 = arith.constant 0 : i32
      %dma_start3A_361 = arith.constant 0 : i32
      %dma_start3A_362 = tpu.memref_slice %arg3[%dma_start3A_360, %dma_start3A_361] : memref<1000000x64xf32, #tpu.memory_space<hbm>> -> memref<1000000x64xf32, #tpu.memory_space<hbm>>
      tpu.enqueue_indirect_dma source(%dma_start3A_362 : memref<1000000x64xf32, #tpu.memory_space<hbm>>) target(%dma_start3A_356 : memref<128x64xf32, #tpu.memory_space<vmem>>) offsets(%dma_start3A_359 : memref<128xi32, #tpu.memory_space<vmem>>) semaphore(%arg12 : memref<!tpu.dma_semaphore, #tpu.memory_space<semaphore_mem>>) {add = true}
      %dma_start3A_363 = arith.constant 0 : i32
      %dma_start3A_364 = arith.constant 3 : i32
      %dma_start3A_365 = arith.constant 0 : i32
      %dma_start3A_366 = arith.constant 0 : i32
      %dma_start3A_367 = arith.constant 3 : i32
      %dma_start3A_368 = arith.constant 0 : i32
      %dma_start3A_369 = arith.constant 0 : i32
      %dma_start3A_370 = tpu.memref_slice %arg7[%dma_start3A_366, %dma_start3A_367, %dma_start3A_368, %dma_start3A_369] : memref<2x5x128x64xf32, #tpu.memory_space<vmem>> -> memref<1x1x128x64xf32, #tpu.memory_space<vmem>>
      %dma_start3A_371 = tpu.memref_squeeze %dma_start3A_370 : memref<1x1x128x64xf32, #tpu.memory_space<vmem>> -> memref<128x64xf32, #tpu.memory_space<vmem>>
      %dma_start3A_372 = arith.constant 0 : i32
      %dma_start3A_373 = tpu.memref_slice %arg6[%dma_start3A_363, %dma_start3A_364, %dma_start3A_365, %dma_start3A_372] : memref<2x5x2x128xi32, #tpu.memory_space<vmem>> -> memref<1x1x1x128xi32, #tpu.memory_space<vmem>>
      %dma_start3A_374 = tpu.memref_squeeze %dma_start3A_373 : memref<1x1x1x128xi32, #tpu.memory_space<vmem>> -> memref<128xi32, #tpu.memory_space<vmem>>
      %dma_start3A_375 = arith.constant 0 : i32
      %dma_start3A_376 = arith.constant 0 : i32
      %dma_start3A_377 = tpu.memref_slice %arg3[%dma_start3A_375, %dma_start3A_376] : memref<1000000x64xf32, #tpu.memory_space<hbm>> -> memref<1000000x64xf32, #tpu.memory_space<hbm>>
      tpu.enqueue_indirect_dma source(%dma_start3A_377 : memref<1000000x64xf32, #tpu.memory_space<hbm>>) target(%dma_start3A_371 : memref<128x64xf32, #tpu.memory_space<vmem>>) offsets(%dma_start3A_374 : memref<128xi32, #tpu.memory_space<vmem>>) semaphore(%arg12 : memref<!tpu.dma_semaphore, #tpu.memory_space<semaphore_mem>>) {add = true}
      %dma_start3A_378 = arith.constant 0 : i32
      %dma_start3A_379 = arith.constant 4 : i32
      %dma_start3A_380 = arith.constant 0 : i32
      %dma_start3A_381 = arith.constant 0 : i32
      %dma_start3A_382 = arith.constant 4 : i32
      %dma_start3A_383 = arith.constant 0 : i32
      %dma_start3A_384 = arith.constant 0 : i32
      %dma_start3A_385 = tpu.memref_slice %arg7[%dma_start3A_381, %dma_start3A_382, %dma_start3A_383, %dma_start3A_384] : memref<2x5x128x64xf32, #tpu.memory_space<vmem>> -> memref<1x1x128x64xf32, #tpu.memory_space<vmem>>
      %dma_start3A_386 = tpu.memref_squeeze %dma_start3A_385 : memref<1x1x128x64xf32, #tpu.memory_space<vmem>> -> memref<128x64xf32, #tpu.memory_space<vmem>>
      %dma_start3A_387 = arith.constant 0 : i32
      %dma_start3A_388 = tpu.memref_slice %arg6[%dma_start3A_378, %dma_start3A_379, %dma_start3A_380, %dma_start3A_387] : memref<2x5x2x128xi32, #tpu.memory_space<vmem>> -> memref<1x1x1x128xi32, #tpu.memory_space<vmem>>
      %dma_start3A_389 = tpu.memref_squeeze %dma_start3A_388 : memref<1x1x1x128xi32, #tpu.memory_space<vmem>> -> memref<128xi32, #tpu.memory_space<vmem>>
      %dma_start3A_390 = arith.constant 0 : i32
      %dma_start3A_391 = arith.constant 0 : i32
      %dma_start3A_392 = tpu.memref_slice %arg3[%dma_start3A_390, %dma_start3A_391] : memref<1000000x64xf32, #tpu.memory_space<hbm>> -> memref<1000000x64xf32, #tpu.memory_space<hbm>>
      tpu.enqueue_indirect_dma source(%dma_start3A_392 : memref<1000000x64xf32, #tpu.memory_space<hbm>>) target(%dma_start3A_386 : memref<128x64xf32, #tpu.memory_space<vmem>>) offsets(%dma_start3A_389 : memref<128xi32, #tpu.memory_space<vmem>>) semaphore(%arg12 : memref<!tpu.dma_semaphore, #tpu.memory_space<semaphore_mem>>) {add = true}
      %ge3A = arith.constant 1 : i32
      %ge3A_393 = arith.cmpi sge, %add3A_239, %ge3A : i32
      %convert_element_type3A = arith.extui %ge3A_393 : i1 to i32
      %cond3A = arith.constant 0 : i32
      %cond3A_394 = arith.cmpi ne, %convert_element_type3A, %cond3A : i32
      scf.if %cond3A_394 {
        %dma_wait3A_892 = arith.constant 1 : i32
        %dma_wait3A_893 = arith.constant 0 : i32
        %dma_wait3A_894 = arith.constant 0 : i32
        %dma_wait3A_895 = arith.constant 0 : i32
        %dma_wait3A_896 = tpu.memref_slice %arg7[%dma_wait3A_892, %dma_wait3A_893, %dma_wait3A_894, %dma_wait3A_895] : memref<2x5x128x64xf32, #tpu.memory_space<vmem>> -> memref<1x1x128x64xf32, #tpu.memory_space<vmem>>
        %dma_wait3A_897 = tpu.memref_squeeze %dma_wait3A_896 : memref<1x1x128x64xf32, #tpu.memory_space<vmem>> -> memref<128x64xf32, #tpu.memory_space<vmem>>
        %dma_wait3A_898 = arith.constant 0 : i32
        %dma_wait3A_899 = arith.constant 0 : i32
        %dma_wait3A_900 = tpu.memref_slice %arg5[%dma_wait3A_898, %dma_wait3A_899] : memref<819200x64xf32, #tpu.memory_space<hbm>> -> memref<128x64xf32, #tpu.memory_space<hbm>>
        %dma_wait3A_901 = arith.constant 0 : i32
        %dma_wait3A_902 = arith.constant 0 : i32
        %dma_wait3A_903 = tpu.memref_slice %arg5[%dma_wait3A_901, %dma_wait3A_902] : memref<819200x64xf32, #tpu.memory_space<hbm>> -> memref<128x64xf32, #tpu.memory_space<hbm>>
        %dma_wait3A_904 = arith.constant 0 : i32
        %dma_wait3A_905 = arith.constant 0 : i32
        %dma_wait3A_906 = tpu.memref_slice %arg7[%dma_wait3A_892, %dma_wait3A_893, %dma_wait3A_904, %dma_wait3A_905] : memref<2x5x128x64xf32, #tpu.memory_space<vmem>> -> memref<1x1x128x64xf32, #tpu.memory_space<vmem>>
        %dma_wait3A_907 = tpu.memref_squeeze %dma_wait3A_906 : memref<1x1x128x64xf32, #tpu.memory_space<vmem>> -> memref<128x64xf32, #tpu.memory_space<vmem>>
        tpu.wait_dma2 semaphore(%arg14 : memref<!tpu.dma_semaphore, #tpu.memory_space<semaphore_mem>>) src(%dma_wait3A_907 : memref<128x64xf32, #tpu.memory_space<vmem>>) dst(%dma_wait3A_903 : memref<128x64xf32, #tpu.memory_space<hbm>>)
        %dma_wait3A_908 = arith.constant 1 : i32
        %dma_wait3A_909 = arith.constant 1 : i32
        %dma_wait3A_910 = arith.constant 0 : i32
        %dma_wait3A_911 = arith.constant 0 : i32
        %dma_wait3A_912 = tpu.memref_slice %arg7[%dma_wait3A_908, %dma_wait3A_909, %dma_wait3A_910, %dma_wait3A_911] : memref<2x5x128x64xf32, #tpu.memory_space<vmem>> -> memref<1x1x128x64xf32, #tpu.memory_space<vmem>>
        %dma_wait3A_913 = tpu.memref_squeeze %dma_wait3A_912 : memref<1x1x128x64xf32, #tpu.memory_space<vmem>> -> memref<128x64xf32, #tpu.memory_space<vmem>>
        %dma_wait3A_914 = arith.constant 0 : i32
        %dma_wait3A_915 = arith.constant 0 : i32
        %dma_wait3A_916 = tpu.memref_slice %arg5[%dma_wait3A_914, %dma_wait3A_915] : memref<819200x64xf32, #tpu.memory_space<hbm>> -> memref<128x64xf32, #tpu.memory_space<hbm>>
        %dma_wait3A_917 = arith.constant 0 : i32
        %dma_wait3A_918 = arith.constant 0 : i32
        %dma_wait3A_919 = tpu.memref_slice %arg5[%dma_wait3A_917, %dma_wait3A_918] : memref<819200x64xf32, #tpu.memory_space<hbm>> -> memref<128x64xf32, #tpu.memory_space<hbm>>
        %dma_wait3A_920 = arith.constant 0 : i32
        %dma_wait3A_921 = arith.constant 0 : i32
        %dma_wait3A_922 = tpu.memref_slice %arg7[%dma_wait3A_908, %dma_wait3A_909, %dma_wait3A_920, %dma_wait3A_921] : memref<2x5x128x64xf32, #tpu.memory_space<vmem>> -> memref<1x1x128x64xf32, #tpu.memory_space<vmem>>
        %dma_wait3A_923 = tpu.memref_squeeze %dma_wait3A_922 : memref<1x1x128x64xf32, #tpu.memory_space<vmem>> -> memref<128x64xf32, #tpu.memory_space<vmem>>
        tpu.wait_dma2 semaphore(%arg14 : memref<!tpu.dma_semaphore, #tpu.memory_space<semaphore_mem>>) src(%dma_wait3A_923 : memref<128x64xf32, #tpu.memory_space<vmem>>) dst(%dma_wait3A_919 : memref<128x64xf32, #tpu.memory_space<hbm>>)
        %dma_wait3A_924 = arith.constant 1 : i32
        %dma_wait3A_925 = arith.constant 2 : i32
        %dma_wait3A_926 = arith.constant 0 : i32
        %dma_wait3A_927 = arith.constant 0 : i32
        %dma_wait3A_928 = tpu.memref_slice %arg7[%dma_wait3A_924, %dma_wait3A_925, %dma_wait3A_926, %dma_wait3A_927] : memref<2x5x128x64xf32, #tpu.memory_space<vmem>> -> memref<1x1x128x64xf32, #tpu.memory_space<vmem>>
        %dma_wait3A_929 = tpu.memref_squeeze %dma_wait3A_928 : memref<1x1x128x64xf32, #tpu.memory_space<vmem>> -> memref<128x64xf32, #tpu.memory_space<vmem>>
        %dma_wait3A_930 = arith.constant 0 : i32
        %dma_wait3A_931 = arith.constant 0 : i32
        %dma_wait3A_932 = tpu.memref_slice %arg5[%dma_wait3A_930, %dma_wait3A_931] : memref<819200x64xf32, #tpu.memory_space<hbm>> -> memref<128x64xf32, #tpu.memory_space<hbm>>
        %dma_wait3A_933 = arith.constant 0 : i32
        %dma_wait3A_934 = arith.constant 0 : i32
        %dma_wait3A_935 = tpu.memref_slice %arg5[%dma_wait3A_933, %dma_wait3A_934] : memref<819200x64xf32, #tpu.memory_space<hbm>> -> memref<128x64xf32, #tpu.memory_space<hbm>>
        %dma_wait3A_936 = arith.constant 0 : i32
        %dma_wait3A_937 = arith.constant 0 : i32
        %dma_wait3A_938 = tpu.memref_slice %arg7[%dma_wait3A_924, %dma_wait3A_925, %dma_wait3A_936, %dma_wait3A_937] : memref<2x5x128x64xf32, #tpu.memory_space<vmem>> -> memref<1x1x128x64xf32, #tpu.memory_space<vmem>>
        %dma_wait3A_939 = tpu.memref_squeeze %dma_wait3A_938 : memref<1x1x128x64xf32, #tpu.memory_space<vmem>> -> memref<128x64xf32, #tpu.memory_space<vmem>>
        tpu.wait_dma2 semaphore(%arg14 : memref<!tpu.dma_semaphore, #tpu.memory_space<semaphore_mem>>) src(%dma_wait3A_939 : memref<128x64xf32, #tpu.memory_space<vmem>>) dst(%dma_wait3A_935 : memref<128x64xf32, #tpu.memory_space<hbm>>)
        %dma_wait3A_940 = arith.constant 1 : i32
        %dma_wait3A_941 = arith.constant 3 : i32
        %dma_wait3A_942 = arith.constant 0 : i32
        %dma_wait3A_943 = arith.constant 0 : i32
        %dma_wait3A_944 = tpu.memref_slice %arg7[%dma_wait3A_940, %dma_wait3A_941, %dma_wait3A_942, %dma_wait3A_943] : memref<2x5x128x64xf32, #tpu.memory_space<vmem>> -> memref<1x1x128x64xf32, #tpu.memory_space<vmem>>
        %dma_wait3A_945 = tpu.memref_squeeze %dma_wait3A_944 : memref<1x1x128x64xf32, #tpu.memory_space<vmem>> -> memref<128x64xf32, #tpu.memory_space<vmem>>
        %dma_wait3A_946 = arith.constant 0 : i32
        %dma_wait3A_947 = arith.constant 0 : i32
        %dma_wait3A_948 = tpu.memref_slice %arg5[%dma_wait3A_946, %dma_wait3A_947] : memref<819200x64xf32, #tpu.memory_space<hbm>> -> memref<128x64xf32, #tpu.memory_space<hbm>>
        %dma_wait3A_949 = arith.constant 0 : i32
        %dma_wait3A_950 = arith.constant 0 : i32
        %dma_wait3A_951 = tpu.memref_slice %arg5[%dma_wait3A_949, %dma_wait3A_950] : memref<819200x64xf32, #tpu.memory_space<hbm>> -> memref<128x64xf32, #tpu.memory_space<hbm>>
        %dma_wait3A_952 = arith.constant 0 : i32
        %dma_wait3A_953 = arith.constant 0 : i32
        %dma_wait3A_954 = tpu.memref_slice %arg7[%dma_wait3A_940, %dma_wait3A_941, %dma_wait3A_952, %dma_wait3A_953] : memref<2x5x128x64xf32, #tpu.memory_space<vmem>> -> memref<1x1x128x64xf32, #tpu.memory_space<vmem>>
        %dma_wait3A_955 = tpu.memref_squeeze %dma_wait3A_954 : memref<1x1x128x64xf32, #tpu.memory_space<vmem>> -> memref<128x64xf32, #tpu.memory_space<vmem>>
        tpu.wait_dma2 semaphore(%arg14 : memref<!tpu.dma_semaphore, #tpu.memory_space<semaphore_mem>>) src(%dma_wait3A_955 : memref<128x64xf32, #tpu.memory_space<vmem>>) dst(%dma_wait3A_951 : memref<128x64xf32, #tpu.memory_space<hbm>>)
        %dma_wait3A_956 = arith.constant 1 : i32
        %dma_wait3A_957 = arith.constant 4 : i32
        %dma_wait3A_958 = arith.constant 0 : i32
        %dma_wait3A_959 = arith.constant 0 : i32
        %dma_wait3A_960 = tpu.memref_slice %arg7[%dma_wait3A_956, %dma_wait3A_957, %dma_wait3A_958, %dma_wait3A_959] : memref<2x5x128x64xf32, #tpu.memory_space<vmem>> -> memref<1x1x128x64xf32, #tpu.memory_space<vmem>>
        %dma_wait3A_961 = tpu.memref_squeeze %dma_wait3A_960 : memref<1x1x128x64xf32, #tpu.memory_space<vmem>> -> memref<128x64xf32, #tpu.memory_space<vmem>>
        %dma_wait3A_962 = arith.constant 0 : i32
        %dma_wait3A_963 = arith.constant 0 : i32
        %dma_wait3A_964 = tpu.memref_slice %arg5[%dma_wait3A_962, %dma_wait3A_963] : memref<819200x64xf32, #tpu.memory_space<hbm>> -> memref<128x64xf32, #tpu.memory_space<hbm>>
        %dma_wait3A_965 = arith.constant 0 : i32
        %dma_wait3A_966 = arith.constant 0 : i32
        %dma_wait3A_967 = tpu.memref_slice %arg5[%dma_wait3A_965, %dma_wait3A_966] : memref<819200x64xf32, #tpu.memory_space<hbm>> -> memref<128x64xf32, #tpu.memory_space<hbm>>
        %dma_wait3A_968 = arith.constant 0 : i32
        %dma_wait3A_969 = arith.constant 0 : i32
        %dma_wait3A_970 = tpu.memref_slice %arg7[%dma_wait3A_956, %dma_wait3A_957, %dma_wait3A_968, %dma_wait3A_969] : memref<2x5x128x64xf32, #tpu.memory_space<vmem>> -> memref<1x1x128x64xf32, #tpu.memory_space<vmem>>
        %dma_wait3A_971 = tpu.memref_squeeze %dma_wait3A_970 : memref<1x1x128x64xf32, #tpu.memory_space<vmem>> -> memref<128x64xf32, #tpu.memory_space<vmem>>
        tpu.wait_dma2 semaphore(%arg14 : memref<!tpu.dma_semaphore, #tpu.memory_space<semaphore_mem>>) src(%dma_wait3A_971 : memref<128x64xf32, #tpu.memory_space<vmem>>) dst(%dma_wait3A_967 : memref<128x64xf32, #tpu.memory_space<hbm>>)
      } else {
      }
      %add3A_395 = arith.constant 1 : i32
      %add3A_396 = arith.addi %add3A_239, %add3A_395 : i32
      %lt3A = arith.constant 40 : i32
      %lt3A_397 = arith.cmpi slt, %add3A_396, %lt3A : i32
      %convert_element_type3A_398 = arith.extui %lt3A_397 : i1 to i32
      %cond3A_399 = arith.constant 0 : i32
      %cond3A_400 = arith.cmpi ne, %convert_element_type3A_398, %cond3A_399 : i32
      scf.if %cond3A_400 {
        %dma_wait3A_892 = arith.constant 1 : i32
        %dma_wait3A_893 = arith.constant 0 : i32
        %dma_wait3A_894 = arith.constant 0 : i32
        %dma_wait3A_895 = arith.constant 0 : i32
        %dma_wait3A_896 = tpu.memref_slice %arg6[%dma_wait3A_892, %dma_wait3A_893, %dma_wait3A_894, %dma_wait3A_895] : memref<2x5x2x128xi32, #tpu.memory_space<vmem>> -> memref<1x5x2x128xi32, #tpu.memory_space<vmem>>
        %dma_wait3A_897 = tpu.memref_squeeze %dma_wait3A_896 : memref<1x5x2x128xi32, #tpu.memory_space<vmem>> -> memref<5x2x128xi32, #tpu.memory_space<vmem>>
        %dma_wait3A_898 = arith.constant 0 : i32
        %dma_wait3A_899 = arith.constant 0 : i32
        %dma_wait3A_900 = arith.constant 0 : i32
        %dma_wait3A_901 = tpu.memref_slice %arg2[%dma_wait3A_898, %dma_wait3A_899, %dma_wait3A_900] : memref<6400x2x128xi32, #tpu.memory_space<hbm>> -> memref<5x2x128xi32, #tpu.memory_space<hbm>>
        %dma_wait3A_902 = arith.constant 0 : i32
        %dma_wait3A_903 = arith.constant 0 : i32
        %dma_wait3A_904 = arith.constant 0 : i32
        %dma_wait3A_905 = tpu.memref_slice %arg6[%dma_wait3A_892, %dma_wait3A_902, %dma_wait3A_903, %dma_wait3A_904] : memref<2x5x2x128xi32, #tpu.memory_space<vmem>> -> memref<1x5x2x128xi32, #tpu.memory_space<vmem>>
        %dma_wait3A_906 = tpu.memref_squeeze %dma_wait3A_905 : memref<1x5x2x128xi32, #tpu.memory_space<vmem>> -> memref<5x2x128xi32, #tpu.memory_space<vmem>>
        %dma_wait3A_907 = arith.constant 0 : i32
        %dma_wait3A_908 = arith.constant 0 : i32
        %dma_wait3A_909 = arith.constant 0 : i32
        %dma_wait3A_910 = tpu.memref_slice %arg2[%dma_wait3A_907, %dma_wait3A_908, %dma_wait3A_909] : memref<6400x2x128xi32, #tpu.memory_space<hbm>> -> memref<5x2x128xi32, #tpu.memory_space<hbm>>
        tpu.wait_dma2 semaphore(%arg10 : memref<!tpu.dma_semaphore, #tpu.memory_space<semaphore_mem>>) src(%dma_wait3A_910 : memref<5x2x128xi32, #tpu.memory_space<hbm>>) dst(%dma_wait3A_906 : memref<5x2x128xi32, #tpu.memory_space<vmem>>)
        %dma_start3A_911 = arith.constant 1 : i32
        %dma_start3A_912 = arith.constant 0 : i32
        %dma_start3A_913 = arith.constant 1 : i32
        %dma_start3A_914 = arith.constant 1 : i32
        %dma_start3A_915 = arith.constant 0 : i32
        %dma_start3A_916 = arith.constant 0 : i32
        %dma_start3A_917 = arith.constant 0 : i32
        %dma_start3A_918 = tpu.memref_slice %arg7[%dma_start3A_914, %dma_start3A_915, %dma_start3A_916, %dma_start3A_917] : memref<2x5x128x64xf32, #tpu.memory_space<vmem>> -> memref<1x1x128x64xf32, #tpu.memory_space<vmem>>
        %dma_start3A_919 = tpu.memref_squeeze %dma_start3A_918 : memref<1x1x128x64xf32, #tpu.memory_space<vmem>> -> memref<128x64xf32, #tpu.memory_space<vmem>>
        %dma_start3A_920 = arith.constant 0 : i32
        %dma_start3A_921 = tpu.memref_slice %arg6[%dma_start3A_911, %dma_start3A_912, %dma_start3A_913, %dma_start3A_920] : memref<2x5x2x128xi32, #tpu.memory_space<vmem>> -> memref<1x1x1x128xi32, #tpu.memory_space<vmem>>
        %dma_start3A_922 = tpu.memref_squeeze %dma_start3A_921 : memref<1x1x1x128xi32, #tpu.memory_space<vmem>> -> memref<128xi32, #tpu.memory_space<vmem>>
        %dma_start3A_923 = arith.constant 0 : i32
        %dma_start3A_924 = arith.constant 0 : i32
        %dma_start3A_925 = tpu.memref_slice %arg8[%dma_start3A_923, %dma_start3A_924] : memref<3x64xf32, #tpu.memory_space<vmem_shared>> -> memref<3x64xf32, #tpu.memory_space<vmem_shared>>
        tpu.enqueue_indirect_dma source(%dma_start3A_925 : memref<3x64xf32, #tpu.memory_space<vmem_shared>>) target(%dma_start3A_919 : memref<128x64xf32, #tpu.memory_space<vmem>>) offsets(%dma_start3A_922 : memref<128xi32, #tpu.memory_space<vmem>>) semaphore(%arg11 : memref<!tpu.dma_semaphore, #tpu.memory_space<semaphore_mem>>)
        %dma_start3A_926 = arith.constant 1 : i32
        %dma_start3A_927 = arith.constant 1 : i32
        %dma_start3A_928 = arith.constant 1 : i32
        %dma_start3A_929 = arith.constant 1 : i32
        %dma_start3A_930 = arith.constant 1 : i32
        %dma_start3A_931 = arith.constant 0 : i32
        %dma_start3A_932 = arith.constant 0 : i32
        %dma_start3A_933 = tpu.memref_slice %arg7[%dma_start3A_929, %dma_start3A_930, %dma_start3A_931, %dma_start3A_932] : memref<2x5x128x64xf32, #tpu.memory_space<vmem>> -> memref<1x1x128x64xf32, #tpu.memory_space<vmem>>
        %dma_start3A_934 = tpu.memref_squeeze %dma_start3A_933 : memref<1x1x128x64xf32, #tpu.memory_space<vmem>> -> memref<128x64xf32, #tpu.memory_space<vmem>>
        %dma_start3A_935 = arith.constant 0 : i32
        %dma_start3A_936 = tpu.memref_slice %arg6[%dma_start3A_926, %dma_start3A_927, %dma_start3A_928, %dma_start3A_935] : memref<2x5x2x128xi32, #tpu.memory_space<vmem>> -> memref<1x1x1x128xi32, #tpu.memory_space<vmem>>
        %dma_start3A_937 = tpu.memref_squeeze %dma_start3A_936 : memref<1x1x1x128xi32, #tpu.memory_space<vmem>> -> memref<128xi32, #tpu.memory_space<vmem>>
        %dma_start3A_938 = arith.constant 0 : i32
        %dma_start3A_939 = arith.constant 0 : i32
        %dma_start3A_940 = tpu.memref_slice %arg8[%dma_start3A_938, %dma_start3A_939] : memref<3x64xf32, #tpu.memory_space<vmem_shared>> -> memref<3x64xf32, #tpu.memory_space<vmem_shared>>
        tpu.enqueue_indirect_dma source(%dma_start3A_940 : memref<3x64xf32, #tpu.memory_space<vmem_shared>>) target(%dma_start3A_934 : memref<128x64xf32, #tpu.memory_space<vmem>>) offsets(%dma_start3A_937 : memref<128xi32, #tpu.memory_space<vmem>>) semaphore(%arg11 : memref<!tpu.dma_semaphore, #tpu.memory_space<semaphore_mem>>)
        %dma_start3A_941 = arith.constant 1 : i32
        %dma_start3A_942 = arith.constant 2 : i32
        %dma_start3A_943 = arith.constant 1 : i32
        %dma_start3A_944 = arith.constant 1 : i32
        %dma_start3A_945 = arith.constant 2 : i32
        %dma_start3A_946 = arith.constant 0 : i32
        %dma_start3A_947 = arith.constant 0 : i32
        %dma_start3A_948 = tpu.memref_slice %arg7[%dma_start3A_944, %dma_start3A_945, %dma_start3A_946, %dma_start3A_947] : memref<2x5x128x64xf32, #tpu.memory_space<vmem>> -> memref<1x1x128x64xf32, #tpu.memory_space<vmem>>
        %dma_start3A_949 = tpu.memref_squeeze %dma_start3A_948 : memref<1x1x128x64xf32, #tpu.memory_space<vmem>> -> memref<128x64xf32, #tpu.memory_space<vmem>>
        %dma_start3A_950 = arith.constant 0 : i32
        %dma_start3A_951 = tpu.memref_slice %arg6[%dma_start3A_941, %dma_start3A_942, %dma_start3A_943, %dma_start3A_950] : memref<2x5x2x128xi32, #tpu.memory_space<vmem>> -> memref<1x1x1x128xi32, #tpu.memory_space<vmem>>
        %dma_start3A_952 = tpu.memref_squeeze %dma_start3A_951 : memref<1x1x1x128xi32, #tpu.memory_space<vmem>> -> memref<128xi32, #tpu.memory_space<vmem>>
        %dma_start3A_953 = arith.constant 0 : i32
        %dma_start3A_954 = arith.constant 0 : i32
        %dma_start3A_955 = tpu.memref_slice %arg8[%dma_start3A_953, %dma_start3A_954] : memref<3x64xf32, #tpu.memory_space<vmem_shared>> -> memref<3x64xf32, #tpu.memory_space<vmem_shared>>
        tpu.enqueue_indirect_dma source(%dma_start3A_955 : memref<3x64xf32, #tpu.memory_space<vmem_shared>>) target(%dma_start3A_949 : memref<128x64xf32, #tpu.memory_space<vmem>>) offsets(%dma_start3A_952 : memref<128xi32, #tpu.memory_space<vmem>>) semaphore(%arg11 : memref<!tpu.dma_semaphore, #tpu.memory_space<semaphore_mem>>)
        %dma_start3A_956 = arith.constant 1 : i32
        %dma_start3A_957 = arith.constant 3 : i32
        %dma_start3A_958 = arith.constant 1 : i32
        %dma_start3A_959 = arith.constant 1 : i32
        %dma_start3A_960 = arith.constant 3 : i32
        %dma_start3A_961 = arith.constant 0 : i32
        %dma_start3A_962 = arith.constant 0 : i32
        %dma_start3A_963 = tpu.memref_slice %arg7[%dma_start3A_959, %dma_start3A_960, %dma_start3A_961, %dma_start3A_962] : memref<2x5x128x64xf32, #tpu.memory_space<vmem>> -> memref<1x1x128x64xf32, #tpu.memory_space<vmem>>
        %dma_start3A_964 = tpu.memref_squeeze %dma_start3A_963 : memref<1x1x128x64xf32, #tpu.memory_space<vmem>> -> memref<128x64xf32, #tpu.memory_space<vmem>>
        %dma_start3A_965 = arith.constant 0 : i32
        %dma_start3A_966 = tpu.memref_slice %arg6[%dma_start3A_956, %dma_start3A_957, %dma_start3A_958, %dma_start3A_965] : memref<2x5x2x128xi32, #tpu.memory_space<vmem>> -> memref<1x1x1x128xi32, #tpu.memory_space<vmem>>
        %dma_start3A_967 = tpu.memref_squeeze %dma_start3A_966 : memref<1x1x1x128xi32, #tpu.memory_space<vmem>> -> memref<128xi32, #tpu.memory_space<vmem>>
        %dma_start3A_968 = arith.constant 0 : i32
        %dma_start3A_969 = arith.constant 0 : i32
        %dma_start3A_970 = tpu.memref_slice %arg8[%dma_start3A_968, %dma_start3A_969] : memref<3x64xf32, #tpu.memory_space<vmem_shared>> -> memref<3x64xf32, #tpu.memory_space<vmem_shared>>
        tpu.enqueue_indirect_dma source(%dma_start3A_970 : memref<3x64xf32, #tpu.memory_space<vmem_shared>>) target(%dma_start3A_964 : memref<128x64xf32, #tpu.memory_space<vmem>>) offsets(%dma_start3A_967 : memref<128xi32, #tpu.memory_space<vmem>>) semaphore(%arg11 : memref<!tpu.dma_semaphore, #tpu.memory_space<semaphore_mem>>)
        %dma_start3A_971 = arith.constant 1 : i32
        %dma_start3A_972 = arith.constant 4 : i32
        %dma_start3A_973 = arith.constant 1 : i32
        %dma_start3A_974 = arith.constant 1 : i32
        %dma_start3A_975 = arith.constant 4 : i32
        %dma_start3A_976 = arith.constant 0 : i32
        %dma_start3A_977 = arith.constant 0 : i32
        %dma_start3A_978 = tpu.memref_slice %arg7[%dma_start3A_974, %dma_start3A_975, %dma_start3A_976, %dma_start3A_977] : memref<2x5x128x64xf32, #tpu.memory_space<vmem>> -> memref<1x1x128x64xf32, #tpu.memory_space<vmem>>
        %dma_start3A_979 = tpu.memref_squeeze %dma_start3A_978 : memref<1x1x128x64xf32, #tpu.memory_space<vmem>> -> memref<128x64xf32, #tpu.memory_space<vmem>>
        %dma_start3A_980 = arith.constant 0 : i32
        %dma_start3A_981 = tpu.memref_slice %arg6[%dma_start3A_971, %dma_start3A_972, %dma_start3A_973, %dma_start3A_980] : memref<2x5x2x128xi32, #tpu.memory_space<vmem>> -> memref<1x1x1x128xi32, #tpu.memory_space<vmem>>
        %dma_start3A_982 = tpu.memref_squeeze %dma_start3A_981 : memref<1x1x1x128xi32, #tpu.memory_space<vmem>> -> memref<128xi32, #tpu.memory_space<vmem>>
        %dma_start3A_983 = arith.constant 0 : i32
        %dma_start3A_984 = arith.constant 0 : i32
        %dma_start3A_985 = tpu.memref_slice %arg8[%dma_start3A_983, %dma_start3A_984] : memref<3x64xf32, #tpu.memory_space<vmem_shared>> -> memref<3x64xf32, #tpu.memory_space<vmem_shared>>
        tpu.enqueue_indirect_dma source(%dma_start3A_985 : memref<3x64xf32, #tpu.memory_space<vmem_shared>>) target(%dma_start3A_979 : memref<128x64xf32, #tpu.memory_space<vmem>>) offsets(%dma_start3A_982 : memref<128xi32, #tpu.memory_space<vmem>>) semaphore(%arg11 : memref<!tpu.dma_semaphore, #tpu.memory_space<semaphore_mem>>)
      } else {
      }
      %dma_wait3A_401 = arith.constant 0 : i32
      %dma_wait3A_402 = arith.constant 0 : i32
      %dma_wait3A_403 = arith.constant 0 : i32
      %dma_wait3A_404 = arith.constant 0 : i32
      %dma_wait3A_405 = arith.constant 0 : i32
      %dma_wait3A_406 = arith.constant 0 : i32
      %dma_wait3A_407 = arith.constant 0 : i32
      %dma_wait3A_408 = tpu.memref_slice %arg7[%dma_wait3A_404, %dma_wait3A_405, %dma_wait3A_406, %dma_wait3A_407] : memref<2x5x128x64xf32, #tpu.memory_space<vmem>> -> memref<1x1x128x64xf32, #tpu.memory_space<vmem>>
      %dma_wait3A_409 = tpu.memref_squeeze %dma_wait3A_408 : memref<1x1x128x64xf32, #tpu.memory_space<vmem>> -> memref<128x64xf32, #tpu.memory_space<vmem>>
      %dma_wait3A_410 = arith.constant 0 : i32
      %dma_wait3A_411 = tpu.memref_slice %arg6[%dma_wait3A_401, %dma_wait3A_402, %dma_wait3A_403, %dma_wait3A_410] : memref<2x5x2x128xi32, #tpu.memory_space<vmem>> -> memref<1x1x1x128xi32, #tpu.memory_space<vmem>>
      %dma_wait3A_412 = tpu.memref_squeeze %dma_wait3A_411 : memref<1x1x1x128xi32, #tpu.memory_space<vmem>> -> memref<128xi32, #tpu.memory_space<vmem>>
      %dma_wait3A_413 = arith.constant 0 : i32
      %dma_wait3A_414 = arith.constant 0 : i32
      %dma_wait3A_415 = tpu.memref_slice %arg3[%dma_wait3A_413, %dma_wait3A_414] : memref<1000000x64xf32, #tpu.memory_space<hbm>> -> memref<1000000x64xf32, #tpu.memory_space<hbm>>
      tpu.wait_indirect_dma semaphore(%arg12 : memref<!tpu.dma_semaphore, #tpu.memory_space<semaphore_mem>>) src(%dma_wait3A_415 : memref<1000000x64xf32, #tpu.memory_space<hbm>>) dst(%dma_wait3A_409 : memref<128x64xf32, #tpu.memory_space<vmem>>)
      %dma_wait3A_416 = arith.constant 0 : i32
      %dma_wait3A_417 = arith.constant 1 : i32
      %dma_wait3A_418 = arith.constant 0 : i32
      %dma_wait3A_419 = arith.constant 0 : i32
      %dma_wait3A_420 = arith.constant 1 : i32
      %dma_wait3A_421 = arith.constant 0 : i32
      %dma_wait3A_422 = arith.constant 0 : i32
      %dma_wait3A_423 = tpu.memref_slice %arg7[%dma_wait3A_419, %dma_wait3A_420, %dma_wait3A_421, %dma_wait3A_422] : memref<2x5x128x64xf32, #tpu.memory_space<vmem>> -> memref<1x1x128x64xf32, #tpu.memory_space<vmem>>
      %dma_wait3A_424 = tpu.memref_squeeze %dma_wait3A_423 : memref<1x1x128x64xf32, #tpu.memory_space<vmem>> -> memref<128x64xf32, #tpu.memory_space<vmem>>
      %dma_wait3A_425 = arith.constant 0 : i32
      %dma_wait3A_426 = tpu.memref_slice %arg6[%dma_wait3A_416, %dma_wait3A_417, %dma_wait3A_418, %dma_wait3A_425] : memref<2x5x2x128xi32, #tpu.memory_space<vmem>> -> memref<1x1x1x128xi32, #tpu.memory_space<vmem>>
      %dma_wait3A_427 = tpu.memref_squeeze %dma_wait3A_426 : memref<1x1x1x128xi32, #tpu.memory_space<vmem>> -> memref<128xi32, #tpu.memory_space<vmem>>
      %dma_wait3A_428 = arith.constant 0 : i32
      %dma_wait3A_429 = arith.constant 0 : i32
      %dma_wait3A_430 = tpu.memref_slice %arg3[%dma_wait3A_428, %dma_wait3A_429] : memref<1000000x64xf32, #tpu.memory_space<hbm>> -> memref<1000000x64xf32, #tpu.memory_space<hbm>>
      tpu.wait_indirect_dma semaphore(%arg12 : memref<!tpu.dma_semaphore, #tpu.memory_space<semaphore_mem>>) src(%dma_wait3A_430 : memref<1000000x64xf32, #tpu.memory_space<hbm>>) dst(%dma_wait3A_424 : memref<128x64xf32, #tpu.memory_space<vmem>>)
      %dma_wait3A_431 = arith.constant 0 : i32
      %dma_wait3A_432 = arith.constant 2 : i32
      %dma_wait3A_433 = arith.constant 0 : i32
      %dma_wait3A_434 = arith.constant 0 : i32
      %dma_wait3A_435 = arith.constant 2 : i32
      %dma_wait3A_436 = arith.constant 0 : i32
      %dma_wait3A_437 = arith.constant 0 : i32
      %dma_wait3A_438 = tpu.memref_slice %arg7[%dma_wait3A_434, %dma_wait3A_435, %dma_wait3A_436, %dma_wait3A_437] : memref<2x5x128x64xf32, #tpu.memory_space<vmem>> -> memref<1x1x128x64xf32, #tpu.memory_space<vmem>>
      %dma_wait3A_439 = tpu.memref_squeeze %dma_wait3A_438 : memref<1x1x128x64xf32, #tpu.memory_space<vmem>> -> memref<128x64xf32, #tpu.memory_space<vmem>>
      %dma_wait3A_440 = arith.constant 0 : i32
      %dma_wait3A_441 = tpu.memref_slice %arg6[%dma_wait3A_431, %dma_wait3A_432, %dma_wait3A_433, %dma_wait3A_440] : memref<2x5x2x128xi32, #tpu.memory_space<vmem>> -> memref<1x1x1x128xi32, #tpu.memory_space<vmem>>
      %dma_wait3A_442 = tpu.memref_squeeze %dma_wait3A_441 : memref<1x1x1x128xi32, #tpu.memory_space<vmem>> -> memref<128xi32, #tpu.memory_space<vmem>>
      %dma_wait3A_443 = arith.constant 0 : i32
      %dma_wait3A_444 = arith.constant 0 : i32
      %dma_wait3A_445 = tpu.memref_slice %arg3[%dma_wait3A_443, %dma_wait3A_444] : memref<1000000x64xf32, #tpu.memory_space<hbm>> -> memref<1000000x64xf32, #tpu.memory_space<hbm>>
      tpu.wait_indirect_dma semaphore(%arg12 : memref<!tpu.dma_semaphore, #tpu.memory_space<semaphore_mem>>) src(%dma_wait3A_445 : memref<1000000x64xf32, #tpu.memory_space<hbm>>) dst(%dma_wait3A_439 : memref<128x64xf32, #tpu.memory_space<vmem>>)
      %dma_wait3A_446 = arith.constant 0 : i32
      %dma_wait3A_447 = arith.constant 3 : i32
      %dma_wait3A_448 = arith.constant 0 : i32
      %dma_wait3A_449 = arith.constant 0 : i32
      %dma_wait3A_450 = arith.constant 3 : i32
      %dma_wait3A_451 = arith.constant 0 : i32
      %dma_wait3A_452 = arith.constant 0 : i32
      %dma_wait3A_453 = tpu.memref_slice %arg7[%dma_wait3A_449, %dma_wait3A_450, %dma_wait3A_451, %dma_wait3A_452] : memref<2x5x128x64xf32, #tpu.memory_space<vmem>> -> memref<1x1x128x64xf32, #tpu.memory_space<vmem>>
      %dma_wait3A_454 = tpu.memref_squeeze %dma_wait3A_453 : memref<1x1x128x64xf32, #tpu.memory_space<vmem>> -> memref<128x64xf32, #tpu.memory_space<vmem>>
      %dma_wait3A_455 = arith.constant 0 : i32
      %dma_wait3A_456 = tpu.memref_slice %arg6[%dma_wait3A_446, %dma_wait3A_447, %dma_wait3A_448, %dma_wait3A_455] : memref<2x5x2x128xi32, #tpu.memory_space<vmem>> -> memref<1x1x1x128xi32, #tpu.memory_space<vmem>>
      %dma_wait3A_457 = tpu.memref_squeeze %dma_wait3A_456 : memref<1x1x1x128xi32, #tpu.memory_space<vmem>> -> memref<128xi32, #tpu.memory_space<vmem>>
      %dma_wait3A_458 = arith.constant 0 : i32
      %dma_wait3A_459 = arith.constant 0 : i32
      %dma_wait3A_460 = tpu.memref_slice %arg3[%dma_wait3A_458, %dma_wait3A_459] : memref<1000000x64xf32, #tpu.memory_space<hbm>> -> memref<1000000x64xf32, #tpu.memory_space<hbm>>
      tpu.wait_indirect_dma semaphore(%arg12 : memref<!tpu.dma_semaphore, #tpu.memory_space<semaphore_mem>>) src(%dma_wait3A_460 : memref<1000000x64xf32, #tpu.memory_space<hbm>>) dst(%dma_wait3A_454 : memref<128x64xf32, #tpu.memory_space<vmem>>)
      %dma_wait3A_461 = arith.constant 0 : i32
      %dma_wait3A_462 = arith.constant 4 : i32
      %dma_wait3A_463 = arith.constant 0 : i32
      %dma_wait3A_464 = arith.constant 0 : i32
      %dma_wait3A_465 = arith.constant 4 : i32
      %dma_wait3A_466 = arith.constant 0 : i32
      %dma_wait3A_467 = arith.constant 0 : i32
      %dma_wait3A_468 = tpu.memref_slice %arg7[%dma_wait3A_464, %dma_wait3A_465, %dma_wait3A_466, %dma_wait3A_467] : memref<2x5x128x64xf32, #tpu.memory_space<vmem>> -> memref<1x1x128x64xf32, #tpu.memory_space<vmem>>
      %dma_wait3A_469 = tpu.memref_squeeze %dma_wait3A_468 : memref<1x1x128x64xf32, #tpu.memory_space<vmem>> -> memref<128x64xf32, #tpu.memory_space<vmem>>
      %dma_wait3A_470 = arith.constant 0 : i32
      %dma_wait3A_471 = tpu.memref_slice %arg6[%dma_wait3A_461, %dma_wait3A_462, %dma_wait3A_463, %dma_wait3A_470] : memref<2x5x2x128xi32, #tpu.memory_space<vmem>> -> memref<1x1x1x128xi32, #tpu.memory_space<vmem>>
      %dma_wait3A_472 = tpu.memref_squeeze %dma_wait3A_471 : memref<1x1x1x128xi32, #tpu.memory_space<vmem>> -> memref<128xi32, #tpu.memory_space<vmem>>
      %dma_wait3A_473 = arith.constant 0 : i32
      %dma_wait3A_474 = arith.constant 0 : i32
      %dma_wait3A_475 = tpu.memref_slice %arg3[%dma_wait3A_473, %dma_wait3A_474] : memref<1000000x64xf32, #tpu.memory_space<hbm>> -> memref<1000000x64xf32, #tpu.memory_space<hbm>>
      tpu.wait_indirect_dma semaphore(%arg12 : memref<!tpu.dma_semaphore, #tpu.memory_space<semaphore_mem>>) src(%dma_wait3A_475 : memref<1000000x64xf32, #tpu.memory_space<hbm>>) dst(%dma_wait3A_469 : memref<128x64xf32, #tpu.memory_space<vmem>>)
      %add3A_476 = arith.constant 2 : i32
      %add3A_477 = arith.addi %add3A_239, %add3A_476 : i32
      %lt3A_478 = arith.constant 40 : i32
      %lt3A_479 = arith.cmpi slt, %add3A_477, %lt3A_478 : i32
      %convert_element_type3A_480 = arith.extui %lt3A_479 : i1 to i32
      %cond3A_481 = arith.constant 0 : i32
      %cond3A_482 = arith.cmpi ne, %convert_element_type3A_480, %cond3A_481 : i32
      scf.if %cond3A_482 {
        %add3A_892 = arith.constant 2 : i32
        %add3A_893 = arith.addi %add3A_239, %add3A_892 : i32
        %mul3A_894 = arith.constant 5 : i32
        %mul3A_895 = arith.muli %add3A_893, %mul3A_894 : i32
        %add3A_896 = arith.addi %select_n3A, %mul3A_895 : i32
        %dma_start3A_897 = arith.constant 0 : i32
        %dma_start3A_898 = arith.constant 0 : i32
        %dma_start3A_899 = arith.constant 0 : i32
        %dma_start3A_900 = arith.constant 0 : i32
        %dma_start3A_901 = tpu.memref_slice %arg6[%dma_start3A_897, %dma_start3A_898, %dma_start3A_899, %dma_start3A_900] : memref<2x5x2x128xi32, #tpu.memory_space<vmem>> -> memref<1x5x2x128xi32, #tpu.memory_space<vmem>>
        %dma_start3A_902 = tpu.memref_squeeze %dma_start3A_901 : memref<1x5x2x128xi32, #tpu.memory_space<vmem>> -> memref<5x2x128xi32, #tpu.memory_space<vmem>>
        %dma_start3A_903 = arith.constant 0 : i32
        %dma_start3A_904 = arith.constant 0 : i32
        %dma_start3A_905 = tpu.memref_slice %arg2[%add3A_896, %dma_start3A_903, %dma_start3A_904] : memref<6400x2x128xi32, #tpu.memory_space<hbm>> -> memref<5x2x128xi32, #tpu.memory_space<hbm>>
        %dma_start3A_906 = arith.constant 0 : i32
        %dma_start3A_907 = arith.constant 0 : i32
        %dma_start3A_908 = arith.constant 0 : i32
        %dma_start3A_909 = tpu.memref_slice %arg6[%dma_start3A_897, %dma_start3A_906, %dma_start3A_907, %dma_start3A_908] : memref<2x5x2x128xi32, #tpu.memory_space<vmem>> -> memref<1x5x2x128xi32, #tpu.memory_space<vmem>>
        %dma_start3A_910 = tpu.memref_squeeze %dma_start3A_909 : memref<1x5x2x128xi32, #tpu.memory_space<vmem>> -> memref<5x2x128xi32, #tpu.memory_space<vmem>>
        %dma_start3A_911 = arith.constant 0 : i32
        %dma_start3A_912 = arith.constant 0 : i32
        %dma_start3A_913 = tpu.memref_slice %arg2[%add3A_896, %dma_start3A_911, %dma_start3A_912] : memref<6400x2x128xi32, #tpu.memory_space<hbm>> -> memref<5x2x128xi32, #tpu.memory_space<hbm>>
        tpu.enqueue_dma source(%dma_start3A_913 : memref<5x2x128xi32, #tpu.memory_space<hbm>>) target(%dma_start3A_910 : memref<5x2x128xi32, #tpu.memory_space<vmem>>) target_semaphore(%arg9 : memref<!tpu.dma_semaphore, #tpu.memory_space<semaphore_mem>>)
      } else {
      }
      %add3A_483 = arith.constant 0 : i32
      %add3A_484 = arith.addi %add3A_242, %add3A_483 : i32
      %dma_start3A_485 = arith.constant 0 : i32
      %dma_start3A_486 = arith.constant 0 : i32
      %dma_start3A_487 = arith.constant 0 : i32
      %dma_start3A_488 = arith.constant 0 : i32
      %dma_start3A_489 = tpu.memref_slice %arg7[%dma_start3A_485, %dma_start3A_486, %dma_start3A_487, %dma_start3A_488] : memref<2x5x128x64xf32, #tpu.memory_space<vmem>> -> memref<1x1x128x64xf32, #tpu.memory_space<vmem>>
      %dma_start3A_490 = tpu.memref_squeeze %dma_start3A_489 : memref<1x1x128x64xf32, #tpu.memory_space<vmem>> -> memref<128x64xf32, #tpu.memory_space<vmem>>
      %dma_start3A_491 = arith.constant 0 : i32
      %dma_start3A_492 = tpu.memref_slice %arg5[%add3A_484, %dma_start3A_491] : memref<819200x64xf32, #tpu.memory_space<hbm>> -> memref<128x64xf32, #tpu.memory_space<hbm>>
      %dma_start3A_493 = arith.constant 0 : i32
      %dma_start3A_494 = tpu.memref_slice %arg5[%add3A_484, %dma_start3A_493] : memref<819200x64xf32, #tpu.memory_space<hbm>> -> memref<128x64xf32, #tpu.memory_space<hbm>>
      %dma_start3A_495 = arith.constant 0 : i32
      %dma_start3A_496 = arith.constant 0 : i32
      %dma_start3A_497 = tpu.memref_slice %arg7[%dma_start3A_485, %dma_start3A_486, %dma_start3A_495, %dma_start3A_496] : memref<2x5x128x64xf32, #tpu.memory_space<vmem>> -> memref<1x1x128x64xf32, #tpu.memory_space<vmem>>
      %dma_start3A_498 = tpu.memref_squeeze %dma_start3A_497 : memref<1x1x128x64xf32, #tpu.memory_space<vmem>> -> memref<128x64xf32, #tpu.memory_space<vmem>>
      tpu.enqueue_dma source(%dma_start3A_498 : memref<128x64xf32, #tpu.memory_space<vmem>>) target(%dma_start3A_494 : memref<128x64xf32, #tpu.memory_space<hbm>>) target_semaphore(%arg13 : memref<!tpu.dma_semaphore, #tpu.memory_space<semaphore_mem>>)
      %add3A_499 = arith.constant 128 : i32
      %add3A_500 = arith.addi %add3A_242, %add3A_499 : i32
      %dma_start3A_501 = arith.constant 0 : i32
      %dma_start3A_502 = arith.constant 1 : i32
      %dma_start3A_503 = arith.constant 0 : i32
      %dma_start3A_504 = arith.constant 0 : i32
      %dma_start3A_505 = tpu.memref_slice %arg7[%dma_start3A_501, %dma_start3A_502, %dma_start3A_503, %dma_start3A_504] : memref<2x5x128x64xf32, #tpu.memory_space<vmem>> -> memref<1x1x128x64xf32, #tpu.memory_space<vmem>>
      %dma_start3A_506 = tpu.memref_squeeze %dma_start3A_505 : memref<1x1x128x64xf32, #tpu.memory_space<vmem>> -> memref<128x64xf32, #tpu.memory_space<vmem>>
      %dma_start3A_507 = arith.constant 0 : i32
      %dma_start3A_508 = tpu.memref_slice %arg5[%add3A_500, %dma_start3A_507] : memref<819200x64xf32, #tpu.memory_space<hbm>> -> memref<128x64xf32, #tpu.memory_space<hbm>>
      %dma_start3A_509 = arith.constant 0 : i32
      %dma_start3A_510 = tpu.memref_slice %arg5[%add3A_500, %dma_start3A_509] : memref<819200x64xf32, #tpu.memory_space<hbm>> -> memref<128x64xf32, #tpu.memory_space<hbm>>
      %dma_start3A_511 = arith.constant 0 : i32
      %dma_start3A_512 = arith.constant 0 : i32
      %dma_start3A_513 = tpu.memref_slice %arg7[%dma_start3A_501, %dma_start3A_502, %dma_start3A_511, %dma_start3A_512] : memref<2x5x128x64xf32, #tpu.memory_space<vmem>> -> memref<1x1x128x64xf32, #tpu.memory_space<vmem>>
      %dma_start3A_514 = tpu.memref_squeeze %dma_start3A_513 : memref<1x1x128x64xf32, #tpu.memory_space<vmem>> -> memref<128x64xf32, #tpu.memory_space<vmem>>
      tpu.enqueue_dma source(%dma_start3A_514 : memref<128x64xf32, #tpu.memory_space<vmem>>) target(%dma_start3A_510 : memref<128x64xf32, #tpu.memory_space<hbm>>) target_semaphore(%arg13 : memref<!tpu.dma_semaphore, #tpu.memory_space<semaphore_mem>>)
      %add3A_515 = arith.constant 256 : i32
      %add3A_516 = arith.addi %add3A_242, %add3A_515 : i32
      %dma_start3A_517 = arith.constant 0 : i32
      %dma_start3A_518 = arith.constant 2 : i32
      %dma_start3A_519 = arith.constant 0 : i32
      %dma_start3A_520 = arith.constant 0 : i32
      %dma_start3A_521 = tpu.memref_slice %arg7[%dma_start3A_517, %dma_start3A_518, %dma_start3A_519, %dma_start3A_520] : memref<2x5x128x64xf32, #tpu.memory_space<vmem>> -> memref<1x1x128x64xf32, #tpu.memory_space<vmem>>
      %dma_start3A_522 = tpu.memref_squeeze %dma_start3A_521 : memref<1x1x128x64xf32, #tpu.memory_space<vmem>> -> memref<128x64xf32, #tpu.memory_space<vmem>>
      %dma_start3A_523 = arith.constant 0 : i32
      %dma_start3A_524 = tpu.memref_slice %arg5[%add3A_516, %dma_start3A_523] : memref<819200x64xf32, #tpu.memory_space<hbm>> -> memref<128x64xf32, #tpu.memory_space<hbm>>
      %dma_start3A_525 = arith.constant 0 : i32
      %dma_start3A_526 = tpu.memref_slice %arg5[%add3A_516, %dma_start3A_525] : memref<819200x64xf32, #tpu.memory_space<hbm>> -> memref<128x64xf32, #tpu.memory_space<hbm>>
      %dma_start3A_527 = arith.constant 0 : i32
      %dma_start3A_528 = arith.constant 0 : i32
      %dma_start3A_529 = tpu.memref_slice %arg7[%dma_start3A_517, %dma_start3A_518, %dma_start3A_527, %dma_start3A_528] : memref<2x5x128x64xf32, #tpu.memory_space<vmem>> -> memref<1x1x128x64xf32, #tpu.memory_space<vmem>>
      %dma_start3A_530 = tpu.memref_squeeze %dma_start3A_529 : memref<1x1x128x64xf32, #tpu.memory_space<vmem>> -> memref<128x64xf32, #tpu.memory_space<vmem>>
      tpu.enqueue_dma source(%dma_start3A_530 : memref<128x64xf32, #tpu.memory_space<vmem>>) target(%dma_start3A_526 : memref<128x64xf32, #tpu.memory_space<hbm>>) target_semaphore(%arg13 : memref<!tpu.dma_semaphore, #tpu.memory_space<semaphore_mem>>)
      %add3A_531 = arith.constant 384 : i32
      %add3A_532 = arith.addi %add3A_242, %add3A_531 : i32
      %dma_start3A_533 = arith.constant 0 : i32
      %dma_start3A_534 = arith.constant 3 : i32
      %dma_start3A_535 = arith.constant 0 : i32
      %dma_start3A_536 = arith.constant 0 : i32
      %dma_start3A_537 = tpu.memref_slice %arg7[%dma_start3A_533, %dma_start3A_534, %dma_start3A_535, %dma_start3A_536] : memref<2x5x128x64xf32, #tpu.memory_space<vmem>> -> memref<1x1x128x64xf32, #tpu.memory_space<vmem>>
      %dma_start3A_538 = tpu.memref_squeeze %dma_start3A_537 : memref<1x1x128x64xf32, #tpu.memory_space<vmem>> -> memref<128x64xf32, #tpu.memory_space<vmem>>
      %dma_start3A_539 = arith.constant 0 : i32
      %dma_start3A_540 = tpu.memref_slice %arg5[%add3A_532, %dma_start3A_539] : memref<819200x64xf32, #tpu.memory_space<hbm>> -> memref<128x64xf32, #tpu.memory_space<hbm>>
      %dma_start3A_541 = arith.constant 0 : i32
      %dma_start3A_542 = tpu.memref_slice %arg5[%add3A_532, %dma_start3A_541] : memref<819200x64xf32, #tpu.memory_space<hbm>> -> memref<128x64xf32, #tpu.memory_space<hbm>>
      %dma_start3A_543 = arith.constant 0 : i32
      %dma_start3A_544 = arith.constant 0 : i32
      %dma_start3A_545 = tpu.memref_slice %arg7[%dma_start3A_533, %dma_start3A_534, %dma_start3A_543, %dma_start3A_544] : memref<2x5x128x64xf32, #tpu.memory_space<vmem>> -> memref<1x1x128x64xf32, #tpu.memory_space<vmem>>
      %dma_start3A_546 = tpu.memref_squeeze %dma_start3A_545 : memref<1x1x128x64xf32, #tpu.memory_space<vmem>> -> memref<128x64xf32, #tpu.memory_space<vmem>>
      tpu.enqueue_dma source(%dma_start3A_546 : memref<128x64xf32, #tpu.memory_space<vmem>>) target(%dma_start3A_542 : memref<128x64xf32, #tpu.memory_space<hbm>>) target_semaphore(%arg13 : memref<!tpu.dma_semaphore, #tpu.memory_space<semaphore_mem>>)
      %add3A_547 = arith.constant 512 : i32
      %add3A_548 = arith.addi %add3A_242, %add3A_547 : i32
      %dma_start3A_549 = arith.constant 0 : i32
      %dma_start3A_550 = arith.constant 4 : i32
      %dma_start3A_551 = arith.constant 0 : i32
      %dma_start3A_552 = arith.constant 0 : i32
      %dma_start3A_553 = tpu.memref_slice %arg7[%dma_start3A_549, %dma_start3A_550, %dma_start3A_551, %dma_start3A_552] : memref<2x5x128x64xf32, #tpu.memory_space<vmem>> -> memref<1x1x128x64xf32, #tpu.memory_space<vmem>>
      %dma_start3A_554 = tpu.memref_squeeze %dma_start3A_553 : memref<1x1x128x64xf32, #tpu.memory_space<vmem>> -> memref<128x64xf32, #tpu.memory_space<vmem>>
      %dma_start3A_555 = arith.constant 0 : i32
      %dma_start3A_556 = tpu.memref_slice %arg5[%add3A_548, %dma_start3A_555] : memref<819200x64xf32, #tpu.memory_space<hbm>> -> memref<128x64xf32, #tpu.memory_space<hbm>>
      %dma_start3A_557 = arith.constant 0 : i32
      %dma_start3A_558 = tpu.memref_slice %arg5[%add3A_548, %dma_start3A_557] : memref<819200x64xf32, #tpu.memory_space<hbm>> -> memref<128x64xf32, #tpu.memory_space<hbm>>
      %dma_start3A_559 = arith.constant 0 : i32
      %dma_start3A_560 = arith.constant 0 : i32
      %dma_start3A_561 = tpu.memref_slice %arg7[%dma_start3A_549, %dma_start3A_550, %dma_start3A_559, %dma_start3A_560] : memref<2x5x128x64xf32, #tpu.memory_space<vmem>> -> memref<1x1x128x64xf32, #tpu.memory_space<vmem>>
      %dma_start3A_562 = tpu.memref_squeeze %dma_start3A_561 : memref<1x1x128x64xf32, #tpu.memory_space<vmem>> -> memref<128x64xf32, #tpu.memory_space<vmem>>
      tpu.enqueue_dma source(%dma_start3A_562 : memref<128x64xf32, #tpu.memory_space<vmem>>) target(%dma_start3A_558 : memref<128x64xf32, #tpu.memory_space<hbm>>) target_semaphore(%arg13 : memref<!tpu.dma_semaphore, #tpu.memory_space<semaphore_mem>>)
      %add3A_563 = arith.constant 1 : i32
      %add3A_564 = arith.addi %add3A_237, %add3A_563 : i32
      %mul3A_565 = arith.constant 640 : i32
      %mul3A_566 = arith.muli %add3A_564, %mul3A_565 : i32
      %add3A_567 = arith.addi %mul3A_2, %mul3A_566 : i32
      %dma_wait3A_568 = arith.constant 1 : i32
      %dma_wait3A_569 = arith.constant 0 : i32
      %dma_wait3A_570 = arith.constant 1 : i32
      %dma_wait3A_571 = arith.constant 1 : i32
      %dma_wait3A_572 = arith.constant 0 : i32
      %dma_wait3A_573 = arith.constant 0 : i32
      %dma_wait3A_574 = arith.constant 0 : i32
      %dma_wait3A_575 = tpu.memref_slice %arg7[%dma_wait3A_571, %dma_wait3A_572, %dma_wait3A_573, %dma_wait3A_574] : memref<2x5x128x64xf32, #tpu.memory_space<vmem>> -> memref<1x1x128x64xf32, #tpu.memory_space<vmem>>
      %dma_wait3A_576 = tpu.memref_squeeze %dma_wait3A_575 : memref<1x1x128x64xf32, #tpu.memory_space<vmem>> -> memref<128x64xf32, #tpu.memory_space<vmem>>
      %dma_wait3A_577 = arith.constant 0 : i32
      %dma_wait3A_578 = tpu.memref_slice %arg6[%dma_wait3A_568, %dma_wait3A_569, %dma_wait3A_570, %dma_wait3A_577] : memref<2x5x2x128xi32, #tpu.memory_space<vmem>> -> memref<1x1x1x128xi32, #tpu.memory_space<vmem>>
      %dma_wait3A_579 = tpu.memref_squeeze %dma_wait3A_578 : memref<1x1x1x128xi32, #tpu.memory_space<vmem>> -> memref<128xi32, #tpu.memory_space<vmem>>
      %dma_wait3A_580 = arith.constant 0 : i32
      %dma_wait3A_581 = arith.constant 0 : i32
      %dma_wait3A_582 = tpu.memref_slice %arg8[%dma_wait3A_580, %dma_wait3A_581] : memref<3x64xf32, #tpu.memory_space<vmem_shared>> -> memref<3x64xf32, #tpu.memory_space<vmem_shared>>
      tpu.wait_indirect_dma semaphore(%arg11 : memref<!tpu.dma_semaphore, #tpu.memory_space<semaphore_mem>>) src(%dma_wait3A_582 : memref<3x64xf32, #tpu.memory_space<vmem_shared>>) dst(%dma_wait3A_576 : memref<128x64xf32, #tpu.memory_space<vmem>>)
      %dma_wait3A_583 = arith.constant 1 : i32
      %dma_wait3A_584 = arith.constant 1 : i32
      %dma_wait3A_585 = arith.constant 1 : i32
      %dma_wait3A_586 = arith.constant 1 : i32
      %dma_wait3A_587 = arith.constant 1 : i32
      %dma_wait3A_588 = arith.constant 0 : i32
      %dma_wait3A_589 = arith.constant 0 : i32
      %dma_wait3A_590 = tpu.memref_slice %arg7[%dma_wait3A_586, %dma_wait3A_587, %dma_wait3A_588, %dma_wait3A_589] : memref<2x5x128x64xf32, #tpu.memory_space<vmem>> -> memref<1x1x128x64xf32, #tpu.memory_space<vmem>>
      %dma_wait3A_591 = tpu.memref_squeeze %dma_wait3A_590 : memref<1x1x128x64xf32, #tpu.memory_space<vmem>> -> memref<128x64xf32, #tpu.memory_space<vmem>>
      %dma_wait3A_592 = arith.constant 0 : i32
      %dma_wait3A_593 = tpu.memref_slice %arg6[%dma_wait3A_583, %dma_wait3A_584, %dma_wait3A_585, %dma_wait3A_592] : memref<2x5x2x128xi32, #tpu.memory_space<vmem>> -> memref<1x1x1x128xi32, #tpu.memory_space<vmem>>
      %dma_wait3A_594 = tpu.memref_squeeze %dma_wait3A_593 : memref<1x1x1x128xi32, #tpu.memory_space<vmem>> -> memref<128xi32, #tpu.memory_space<vmem>>
      %dma_wait3A_595 = arith.constant 0 : i32
      %dma_wait3A_596 = arith.constant 0 : i32
      %dma_wait3A_597 = tpu.memref_slice %arg8[%dma_wait3A_595, %dma_wait3A_596] : memref<3x64xf32, #tpu.memory_space<vmem_shared>> -> memref<3x64xf32, #tpu.memory_space<vmem_shared>>
      tpu.wait_indirect_dma semaphore(%arg11 : memref<!tpu.dma_semaphore, #tpu.memory_space<semaphore_mem>>) src(%dma_wait3A_597 : memref<3x64xf32, #tpu.memory_space<vmem_shared>>) dst(%dma_wait3A_591 : memref<128x64xf32, #tpu.memory_space<vmem>>)
      %dma_wait3A_598 = arith.constant 1 : i32
      %dma_wait3A_599 = arith.constant 2 : i32
      %dma_wait3A_600 = arith.constant 1 : i32
      %dma_wait3A_601 = arith.constant 1 : i32
      %dma_wait3A_602 = arith.constant 2 : i32
      %dma_wait3A_603 = arith.constant 0 : i32
      %dma_wait3A_604 = arith.constant 0 : i32
      %dma_wait3A_605 = tpu.memref_slice %arg7[%dma_wait3A_601, %dma_wait3A_602, %dma_wait3A_603, %dma_wait3A_604] : memref<2x5x128x64xf32, #tpu.memory_space<vmem>> -> memref<1x1x128x64xf32, #tpu.memory_space<vmem>>
      %dma_wait3A_606 = tpu.memref_squeeze %dma_wait3A_605 : memref<1x1x128x64xf32, #tpu.memory_space<vmem>> -> memref<128x64xf32, #tpu.memory_space<vmem>>
      %dma_wait3A_607 = arith.constant 0 : i32
      %dma_wait3A_608 = tpu.memref_slice %arg6[%dma_wait3A_598, %dma_wait3A_599, %dma_wait3A_600, %dma_wait3A_607] : memref<2x5x2x128xi32, #tpu.memory_space<vmem>> -> memref<1x1x1x128xi32, #tpu.memory_space<vmem>>
      %dma_wait3A_609 = tpu.memref_squeeze %dma_wait3A_608 : memref<1x1x1x128xi32, #tpu.memory_space<vmem>> -> memref<128xi32, #tpu.memory_space<vmem>>
      %dma_wait3A_610 = arith.constant 0 : i32
      %dma_wait3A_611 = arith.constant 0 : i32
      %dma_wait3A_612 = tpu.memref_slice %arg8[%dma_wait3A_610, %dma_wait3A_611] : memref<3x64xf32, #tpu.memory_space<vmem_shared>> -> memref<3x64xf32, #tpu.memory_space<vmem_shared>>
      tpu.wait_indirect_dma semaphore(%arg11 : memref<!tpu.dma_semaphore, #tpu.memory_space<semaphore_mem>>) src(%dma_wait3A_612 : memref<3x64xf32, #tpu.memory_space<vmem_shared>>) dst(%dma_wait3A_606 : memref<128x64xf32, #tpu.memory_space<vmem>>)
      %dma_wait3A_613 = arith.constant 1 : i32
      %dma_wait3A_614 = arith.constant 3 : i32
      %dma_wait3A_615 = arith.constant 1 : i32
      %dma_wait3A_616 = arith.constant 1 : i32
      %dma_wait3A_617 = arith.constant 3 : i32
      %dma_wait3A_618 = arith.constant 0 : i32
      %dma_wait3A_619 = arith.constant 0 : i32
      %dma_wait3A_620 = tpu.memref_slice %arg7[%dma_wait3A_616, %dma_wait3A_617, %dma_wait3A_618, %dma_wait3A_619] : memref<2x5x128x64xf32, #tpu.memory_space<vmem>> -> memref<1x1x128x64xf32, #tpu.memory_space<vmem>>
      %dma_wait3A_621 = tpu.memref_squeeze %dma_wait3A_620 : memref<1x1x128x64xf32, #tpu.memory_space<vmem>> -> memref<128x64xf32, #tpu.memory_space<vmem>>
      %dma_wait3A_622 = arith.constant 0 : i32
      %dma_wait3A_623 = tpu.memref_slice %arg6[%dma_wait3A_613, %dma_wait3A_614, %dma_wait3A_615, %dma_wait3A_622] : memref<2x5x2x128xi32, #tpu.memory_space<vmem>> -> memref<1x1x1x128xi32, #tpu.memory_space<vmem>>
      %dma_wait3A_624 = tpu.memref_squeeze %dma_wait3A_623 : memref<1x1x1x128xi32, #tpu.memory_space<vmem>> -> memref<128xi32, #tpu.memory_space<vmem>>
      %dma_wait3A_625 = arith.constant 0 : i32
      %dma_wait3A_626 = arith.constant 0 : i32
      %dma_wait3A_627 = tpu.memref_slice %arg8[%dma_wait3A_625, %dma_wait3A_626] : memref<3x64xf32, #tpu.memory_space<vmem_shared>> -> memref<3x64xf32, #tpu.memory_space<vmem_shared>>
      tpu.wait_indirect_dma semaphore(%arg11 : memref<!tpu.dma_semaphore, #tpu.memory_space<semaphore_mem>>) src(%dma_wait3A_627 : memref<3x64xf32, #tpu.memory_space<vmem_shared>>) dst(%dma_wait3A_621 : memref<128x64xf32, #tpu.memory_space<vmem>>)
      %dma_wait3A_628 = arith.constant 1 : i32
      %dma_wait3A_629 = arith.constant 4 : i32
      %dma_wait3A_630 = arith.constant 1 : i32
      %dma_wait3A_631 = arith.constant 1 : i32
      %dma_wait3A_632 = arith.constant 4 : i32
      %dma_wait3A_633 = arith.constant 0 : i32
      %dma_wait3A_634 = arith.constant 0 : i32
      %dma_wait3A_635 = tpu.memref_slice %arg7[%dma_wait3A_631, %dma_wait3A_632, %dma_wait3A_633, %dma_wait3A_634] : memref<2x5x128x64xf32, #tpu.memory_space<vmem>> -> memref<1x1x128x64xf32, #tpu.memory_space<vmem>>
      %dma_wait3A_636 = tpu.memref_squeeze %dma_wait3A_635 : memref<1x1x128x64xf32, #tpu.memory_space<vmem>> -> memref<128x64xf32, #tpu.memory_space<vmem>>
      %dma_wait3A_637 = arith.constant 0 : i32
      %dma_wait3A_638 = tpu.memref_slice %arg6[%dma_wait3A_628, %dma_wait3A_629, %dma_wait3A_630, %dma_wait3A_637] : memref<2x5x2x128xi32, #tpu.memory_space<vmem>> -> memref<1x1x1x128xi32, #tpu.memory_space<vmem>>
      %dma_wait3A_639 = tpu.memref_squeeze %dma_wait3A_638 : memref<1x1x1x128xi32, #tpu.memory_space<vmem>> -> memref<128xi32, #tpu.memory_space<vmem>>
      %dma_wait3A_640 = arith.constant 0 : i32
      %dma_wait3A_641 = arith.constant 0 : i32
      %dma_wait3A_642 = tpu.memref_slice %arg8[%dma_wait3A_640, %dma_wait3A_641] : memref<3x64xf32, #tpu.memory_space<vmem_shared>> -> memref<3x64xf32, #tpu.memory_space<vmem_shared>>
      tpu.wait_indirect_dma semaphore(%arg11 : memref<!tpu.dma_semaphore, #tpu.memory_space<semaphore_mem>>) src(%dma_wait3A_642 : memref<3x64xf32, #tpu.memory_space<vmem_shared>>) dst(%dma_wait3A_636 : memref<128x64xf32, #tpu.memory_space<vmem>>)
      %dma_start3A_643 = arith.constant 1 : i32
      %dma_start3A_644 = arith.constant 0 : i32
      %dma_start3A_645 = arith.constant 0 : i32
      %dma_start3A_646 = arith.constant 1 : i32
      %dma_start3A_647 = arith.constant 0 : i32
      %dma_start3A_648 = arith.constant 0 : i32
      %dma_start3A_649 = arith.constant 0 : i32
      %dma_start3A_650 = tpu.memref_slice %arg7[%dma_start3A_646, %dma_start3A_647, %dma_start3A_648, %dma_start3A_649] : memref<2x5x128x64xf32, #tpu.memory_space<vmem>> -> memref<1x1x128x64xf32, #tpu.memory_space<vmem>>
      %dma_start3A_651 = tpu.memref_squeeze %dma_start3A_650 : memref<1x1x128x64xf32, #tpu.memory_space<vmem>> -> memref<128x64xf32, #tpu.memory_space<vmem>>
      %dma_start3A_652 = arith.constant 0 : i32
      %dma_start3A_653 = tpu.memref_slice %arg6[%dma_start3A_643, %dma_start3A_644, %dma_start3A_645, %dma_start3A_652] : memref<2x5x2x128xi32, #tpu.memory_space<vmem>> -> memref<1x1x1x128xi32, #tpu.memory_space<vmem>>
      %dma_start3A_654 = tpu.memref_squeeze %dma_start3A_653 : memref<1x1x1x128xi32, #tpu.memory_space<vmem>> -> memref<128xi32, #tpu.memory_space<vmem>>
      %dma_start3A_655 = arith.constant 0 : i32
      %dma_start3A_656 = arith.constant 0 : i32
      %dma_start3A_657 = tpu.memref_slice %arg3[%dma_start3A_655, %dma_start3A_656] : memref<1000000x64xf32, #tpu.memory_space<hbm>> -> memref<1000000x64xf32, #tpu.memory_space<hbm>>
      tpu.enqueue_indirect_dma source(%dma_start3A_657 : memref<1000000x64xf32, #tpu.memory_space<hbm>>) target(%dma_start3A_651 : memref<128x64xf32, #tpu.memory_space<vmem>>) offsets(%dma_start3A_654 : memref<128xi32, #tpu.memory_space<vmem>>) semaphore(%arg12 : memref<!tpu.dma_semaphore, #tpu.memory_space<semaphore_mem>>) {add = true}
      %dma_start3A_658 = arith.constant 1 : i32
      %dma_start3A_659 = arith.constant 1 : i32
      %dma_start3A_660 = arith.constant 0 : i32
      %dma_start3A_661 = arith.constant 1 : i32
      %dma_start3A_662 = arith.constant 1 : i32
      %dma_start3A_663 = arith.constant 0 : i32
      %dma_start3A_664 = arith.constant 0 : i32
      %dma_start3A_665 = tpu.memref_slice %arg7[%dma_start3A_661, %dma_start3A_662, %dma_start3A_663, %dma_start3A_664] : memref<2x5x128x64xf32, #tpu.memory_space<vmem>> -> memref<1x1x128x64xf32, #tpu.memory_space<vmem>>
      %dma_start3A_666 = tpu.memref_squeeze %dma_start3A_665 : memref<1x1x128x64xf32, #tpu.memory_space<vmem>> -> memref<128x64xf32, #tpu.memory_space<vmem>>
      %dma_start3A_667 = arith.constant 0 : i32
      %dma_start3A_668 = tpu.memref_slice %arg6[%dma_start3A_658, %dma_start3A_659, %dma_start3A_660, %dma_start3A_667] : memref<2x5x2x128xi32, #tpu.memory_space<vmem>> -> memref<1x1x1x128xi32, #tpu.memory_space<vmem>>
      %dma_start3A_669 = tpu.memref_squeeze %dma_start3A_668 : memref<1x1x1x128xi32, #tpu.memory_space<vmem>> -> memref<128xi32, #tpu.memory_space<vmem>>
      %dma_start3A_670 = arith.constant 0 : i32
      %dma_start3A_671 = arith.constant 0 : i32
      %dma_start3A_672 = tpu.memref_slice %arg3[%dma_start3A_670, %dma_start3A_671] : memref<1000000x64xf32, #tpu.memory_space<hbm>> -> memref<1000000x64xf32, #tpu.memory_space<hbm>>
      tpu.enqueue_indirect_dma source(%dma_start3A_672 : memref<1000000x64xf32, #tpu.memory_space<hbm>>) target(%dma_start3A_666 : memref<128x64xf32, #tpu.memory_space<vmem>>) offsets(%dma_start3A_669 : memref<128xi32, #tpu.memory_space<vmem>>) semaphore(%arg12 : memref<!tpu.dma_semaphore, #tpu.memory_space<semaphore_mem>>) {add = true}
      %dma_start3A_673 = arith.constant 1 : i32
      %dma_start3A_674 = arith.constant 2 : i32
      %dma_start3A_675 = arith.constant 0 : i32
      %dma_start3A_676 = arith.constant 1 : i32
      %dma_start3A_677 = arith.constant 2 : i32
      %dma_start3A_678 = arith.constant 0 : i32
      %dma_start3A_679 = arith.constant 0 : i32
      %dma_start3A_680 = tpu.memref_slice %arg7[%dma_start3A_676, %dma_start3A_677, %dma_start3A_678, %dma_start3A_679] : memref<2x5x128x64xf32, #tpu.memory_space<vmem>> -> memref<1x1x128x64xf32, #tpu.memory_space<vmem>>
      %dma_start3A_681 = tpu.memref_squeeze %dma_start3A_680 : memref<1x1x128x64xf32, #tpu.memory_space<vmem>> -> memref<128x64xf32, #tpu.memory_space<vmem>>
      %dma_start3A_682 = arith.constant 0 : i32
      %dma_start3A_683 = tpu.memref_slice %arg6[%dma_start3A_673, %dma_start3A_674, %dma_start3A_675, %dma_start3A_682] : memref<2x5x2x128xi32, #tpu.memory_space<vmem>> -> memref<1x1x1x128xi32, #tpu.memory_space<vmem>>
      %dma_start3A_684 = tpu.memref_squeeze %dma_start3A_683 : memref<1x1x1x128xi32, #tpu.memory_space<vmem>> -> memref<128xi32, #tpu.memory_space<vmem>>
      %dma_start3A_685 = arith.constant 0 : i32
      %dma_start3A_686 = arith.constant 0 : i32
      %dma_start3A_687 = tpu.memref_slice %arg3[%dma_start3A_685, %dma_start3A_686] : memref<1000000x64xf32, #tpu.memory_space<hbm>> -> memref<1000000x64xf32, #tpu.memory_space<hbm>>
      tpu.enqueue_indirect_dma source(%dma_start3A_687 : memref<1000000x64xf32, #tpu.memory_space<hbm>>) target(%dma_start3A_681 : memref<128x64xf32, #tpu.memory_space<vmem>>) offsets(%dma_start3A_684 : memref<128xi32, #tpu.memory_space<vmem>>) semaphore(%arg12 : memref<!tpu.dma_semaphore, #tpu.memory_space<semaphore_mem>>) {add = true}
      %dma_start3A_688 = arith.constant 1 : i32
      %dma_start3A_689 = arith.constant 3 : i32
      %dma_start3A_690 = arith.constant 0 : i32
      %dma_start3A_691 = arith.constant 1 : i32
      %dma_start3A_692 = arith.constant 3 : i32
      %dma_start3A_693 = arith.constant 0 : i32
      %dma_start3A_694 = arith.constant 0 : i32
      %dma_start3A_695 = tpu.memref_slice %arg7[%dma_start3A_691, %dma_start3A_692, %dma_start3A_693, %dma_start3A_694] : memref<2x5x128x64xf32, #tpu.memory_space<vmem>> -> memref<1x1x128x64xf32, #tpu.memory_space<vmem>>
      %dma_start3A_696 = tpu.memref_squeeze %dma_start3A_695 : memref<1x1x128x64xf32, #tpu.memory_space<vmem>> -> memref<128x64xf32, #tpu.memory_space<vmem>>
      %dma_start3A_697 = arith.constant 0 : i32
      %dma_start3A_698 = tpu.memref_slice %arg6[%dma_start3A_688, %dma_start3A_689, %dma_start3A_690, %dma_start3A_697] : memref<2x5x2x128xi32, #tpu.memory_space<vmem>> -> memref<1x1x1x128xi32, #tpu.memory_space<vmem>>
      %dma_start3A_699 = tpu.memref_squeeze %dma_start3A_698 : memref<1x1x1x128xi32, #tpu.memory_space<vmem>> -> memref<128xi32, #tpu.memory_space<vmem>>
      %dma_start3A_700 = arith.constant 0 : i32
      %dma_start3A_701 = arith.constant 0 : i32
      %dma_start3A_702 = tpu.memref_slice %arg3[%dma_start3A_700, %dma_start3A_701] : memref<1000000x64xf32, #tpu.memory_space<hbm>> -> memref<1000000x64xf32, #tpu.memory_space<hbm>>
      tpu.enqueue_indirect_dma source(%dma_start3A_702 : memref<1000000x64xf32, #tpu.memory_space<hbm>>) target(%dma_start3A_696 : memref<128x64xf32, #tpu.memory_space<vmem>>) offsets(%dma_start3A_699 : memref<128xi32, #tpu.memory_space<vmem>>) semaphore(%arg12 : memref<!tpu.dma_semaphore, #tpu.memory_space<semaphore_mem>>) {add = true}
      %dma_start3A_703 = arith.constant 1 : i32
      %dma_start3A_704 = arith.constant 4 : i32
      %dma_start3A_705 = arith.constant 0 : i32
      %dma_start3A_706 = arith.constant 1 : i32
      %dma_start3A_707 = arith.constant 4 : i32
      %dma_start3A_708 = arith.constant 0 : i32
      %dma_start3A_709 = arith.constant 0 : i32
      %dma_start3A_710 = tpu.memref_slice %arg7[%dma_start3A_706, %dma_start3A_707, %dma_start3A_708, %dma_start3A_709] : memref<2x5x128x64xf32, #tpu.memory_space<vmem>> -> memref<1x1x128x64xf32, #tpu.memory_space<vmem>>
      %dma_start3A_711 = tpu.memref_squeeze %dma_start3A_710 : memref<1x1x128x64xf32, #tpu.memory_space<vmem>> -> memref<128x64xf32, #tpu.memory_space<vmem>>
      %dma_start3A_712 = arith.constant 0 : i32
      %dma_start3A_713 = tpu.memref_slice %arg6[%dma_start3A_703, %dma_start3A_704, %dma_start3A_705, %dma_start3A_712] : memref<2x5x2x128xi32, #tpu.memory_space<vmem>> -> memref<1x1x1x128xi32, #tpu.memory_space<vmem>>
      %dma_start3A_714 = tpu.memref_squeeze %dma_start3A_713 : memref<1x1x1x128xi32, #tpu.memory_space<vmem>> -> memref<128xi32, #tpu.memory_space<vmem>>
      %dma_start3A_715 = arith.constant 0 : i32
      %dma_start3A_716 = arith.constant 0 : i32
      %dma_start3A_717 = tpu.memref_slice %arg3[%dma_start3A_715, %dma_start3A_716] : memref<1000000x64xf32, #tpu.memory_space<hbm>> -> memref<1000000x64xf32, #tpu.memory_space<hbm>>
      tpu.enqueue_indirect_dma source(%dma_start3A_717 : memref<1000000x64xf32, #tpu.memory_space<hbm>>) target(%dma_start3A_711 : memref<128x64xf32, #tpu.memory_space<vmem>>) offsets(%dma_start3A_714 : memref<128xi32, #tpu.memory_space<vmem>>) semaphore(%arg12 : memref<!tpu.dma_semaphore, #tpu.memory_space<semaphore_mem>>) {add = true}
      %ge3A_718 = arith.constant 1 : i32
      %ge3A_719 = arith.cmpi sge, %add3A_564, %ge3A_718 : i32
      %convert_element_type3A_720 = arith.extui %ge3A_719 : i1 to i32
      %cond3A_721 = arith.constant 0 : i32
      %cond3A_722 = arith.cmpi ne, %convert_element_type3A_720, %cond3A_721 : i32
      scf.if %cond3A_722 {
        %dma_wait3A_892 = arith.constant 0 : i32
        %dma_wait3A_893 = arith.constant 0 : i32
        %dma_wait3A_894 = arith.constant 0 : i32
        %dma_wait3A_895 = arith.constant 0 : i32
        %dma_wait3A_896 = tpu.memref_slice %arg7[%dma_wait3A_892, %dma_wait3A_893, %dma_wait3A_894, %dma_wait3A_895] : memref<2x5x128x64xf32, #tpu.memory_space<vmem>> -> memref<1x1x128x64xf32, #tpu.memory_space<vmem>>
        %dma_wait3A_897 = tpu.memref_squeeze %dma_wait3A_896 : memref<1x1x128x64xf32, #tpu.memory_space<vmem>> -> memref<128x64xf32, #tpu.memory_space<vmem>>
        %dma_wait3A_898 = arith.constant 0 : i32
        %dma_wait3A_899 = arith.constant 0 : i32
        %dma_wait3A_900 = tpu.memref_slice %arg5[%dma_wait3A_898, %dma_wait3A_899] : memref<819200x64xf32, #tpu.memory_space<hbm>> -> memref<128x64xf32, #tpu.memory_space<hbm>>
        %dma_wait3A_901 = arith.constant 0 : i32
        %dma_wait3A_902 = arith.constant 0 : i32
        %dma_wait3A_903 = tpu.memref_slice %arg5[%dma_wait3A_901, %dma_wait3A_902] : memref<819200x64xf32, #tpu.memory_space<hbm>> -> memref<128x64xf32, #tpu.memory_space<hbm>>
        %dma_wait3A_904 = arith.constant 0 : i32
        %dma_wait3A_905 = arith.constant 0 : i32
        %dma_wait3A_906 = tpu.memref_slice %arg7[%dma_wait3A_892, %dma_wait3A_893, %dma_wait3A_904, %dma_wait3A_905] : memref<2x5x128x64xf32, #tpu.memory_space<vmem>> -> memref<1x1x128x64xf32, #tpu.memory_space<vmem>>
        %dma_wait3A_907 = tpu.memref_squeeze %dma_wait3A_906 : memref<1x1x128x64xf32, #tpu.memory_space<vmem>> -> memref<128x64xf32, #tpu.memory_space<vmem>>
        tpu.wait_dma2 semaphore(%arg13 : memref<!tpu.dma_semaphore, #tpu.memory_space<semaphore_mem>>) src(%dma_wait3A_907 : memref<128x64xf32, #tpu.memory_space<vmem>>) dst(%dma_wait3A_903 : memref<128x64xf32, #tpu.memory_space<hbm>>)
        %dma_wait3A_908 = arith.constant 0 : i32
        %dma_wait3A_909 = arith.constant 1 : i32
        %dma_wait3A_910 = arith.constant 0 : i32
        %dma_wait3A_911 = arith.constant 0 : i32
        %dma_wait3A_912 = tpu.memref_slice %arg7[%dma_wait3A_908, %dma_wait3A_909, %dma_wait3A_910, %dma_wait3A_911] : memref<2x5x128x64xf32, #tpu.memory_space<vmem>> -> memref<1x1x128x64xf32, #tpu.memory_space<vmem>>
        %dma_wait3A_913 = tpu.memref_squeeze %dma_wait3A_912 : memref<1x1x128x64xf32, #tpu.memory_space<vmem>> -> memref<128x64xf32, #tpu.memory_space<vmem>>
        %dma_wait3A_914 = arith.constant 0 : i32
        %dma_wait3A_915 = arith.constant 0 : i32
        %dma_wait3A_916 = tpu.memref_slice %arg5[%dma_wait3A_914, %dma_wait3A_915] : memref<819200x64xf32, #tpu.memory_space<hbm>> -> memref<128x64xf32, #tpu.memory_space<hbm>>
        %dma_wait3A_917 = arith.constant 0 : i32
        %dma_wait3A_918 = arith.constant 0 : i32
        %dma_wait3A_919 = tpu.memref_slice %arg5[%dma_wait3A_917, %dma_wait3A_918] : memref<819200x64xf32, #tpu.memory_space<hbm>> -> memref<128x64xf32, #tpu.memory_space<hbm>>
        %dma_wait3A_920 = arith.constant 0 : i32
        %dma_wait3A_921 = arith.constant 0 : i32
        %dma_wait3A_922 = tpu.memref_slice %arg7[%dma_wait3A_908, %dma_wait3A_909, %dma_wait3A_920, %dma_wait3A_921] : memref<2x5x128x64xf32, #tpu.memory_space<vmem>> -> memref<1x1x128x64xf32, #tpu.memory_space<vmem>>
        %dma_wait3A_923 = tpu.memref_squeeze %dma_wait3A_922 : memref<1x1x128x64xf32, #tpu.memory_space<vmem>> -> memref<128x64xf32, #tpu.memory_space<vmem>>
        tpu.wait_dma2 semaphore(%arg13 : memref<!tpu.dma_semaphore, #tpu.memory_space<semaphore_mem>>) src(%dma_wait3A_923 : memref<128x64xf32, #tpu.memory_space<vmem>>) dst(%dma_wait3A_919 : memref<128x64xf32, #tpu.memory_space<hbm>>)
        %dma_wait3A_924 = arith.constant 0 : i32
        %dma_wait3A_925 = arith.constant 2 : i32
        %dma_wait3A_926 = arith.constant 0 : i32
        %dma_wait3A_927 = arith.constant 0 : i32
        %dma_wait3A_928 = tpu.memref_slice %arg7[%dma_wait3A_924, %dma_wait3A_925, %dma_wait3A_926, %dma_wait3A_927] : memref<2x5x128x64xf32, #tpu.memory_space<vmem>> -> memref<1x1x128x64xf32, #tpu.memory_space<vmem>>
        %dma_wait3A_929 = tpu.memref_squeeze %dma_wait3A_928 : memref<1x1x128x64xf32, #tpu.memory_space<vmem>> -> memref<128x64xf32, #tpu.memory_space<vmem>>
        %dma_wait3A_930 = arith.constant 0 : i32
        %dma_wait3A_931 = arith.constant 0 : i32
        %dma_wait3A_932 = tpu.memref_slice %arg5[%dma_wait3A_930, %dma_wait3A_931] : memref<819200x64xf32, #tpu.memory_space<hbm>> -> memref<128x64xf32, #tpu.memory_space<hbm>>
        %dma_wait3A_933 = arith.constant 0 : i32
        %dma_wait3A_934 = arith.constant 0 : i32
        %dma_wait3A_935 = tpu.memref_slice %arg5[%dma_wait3A_933, %dma_wait3A_934] : memref<819200x64xf32, #tpu.memory_space<hbm>> -> memref<128x64xf32, #tpu.memory_space<hbm>>
        %dma_wait3A_936 = arith.constant 0 : i32
        %dma_wait3A_937 = arith.constant 0 : i32
        %dma_wait3A_938 = tpu.memref_slice %arg7[%dma_wait3A_924, %dma_wait3A_925, %dma_wait3A_936, %dma_wait3A_937] : memref<2x5x128x64xf32, #tpu.memory_space<vmem>> -> memref<1x1x128x64xf32, #tpu.memory_space<vmem>>
        %dma_wait3A_939 = tpu.memref_squeeze %dma_wait3A_938 : memref<1x1x128x64xf32, #tpu.memory_space<vmem>> -> memref<128x64xf32, #tpu.memory_space<vmem>>
        tpu.wait_dma2 semaphore(%arg13 : memref<!tpu.dma_semaphore, #tpu.memory_space<semaphore_mem>>) src(%dma_wait3A_939 : memref<128x64xf32, #tpu.memory_space<vmem>>) dst(%dma_wait3A_935 : memref<128x64xf32, #tpu.memory_space<hbm>>)
        %dma_wait3A_940 = arith.constant 0 : i32
        %dma_wait3A_941 = arith.constant 3 : i32
        %dma_wait3A_942 = arith.constant 0 : i32
        %dma_wait3A_943 = arith.constant 0 : i32
        %dma_wait3A_944 = tpu.memref_slice %arg7[%dma_wait3A_940, %dma_wait3A_941, %dma_wait3A_942, %dma_wait3A_943] : memref<2x5x128x64xf32, #tpu.memory_space<vmem>> -> memref<1x1x128x64xf32, #tpu.memory_space<vmem>>
        %dma_wait3A_945 = tpu.memref_squeeze %dma_wait3A_944 : memref<1x1x128x64xf32, #tpu.memory_space<vmem>> -> memref<128x64xf32, #tpu.memory_space<vmem>>
        %dma_wait3A_946 = arith.constant 0 : i32
        %dma_wait3A_947 = arith.constant 0 : i32
        %dma_wait3A_948 = tpu.memref_slice %arg5[%dma_wait3A_946, %dma_wait3A_947] : memref<819200x64xf32, #tpu.memory_space<hbm>> -> memref<128x64xf32, #tpu.memory_space<hbm>>
        %dma_wait3A_949 = arith.constant 0 : i32
        %dma_wait3A_950 = arith.constant 0 : i32
        %dma_wait3A_951 = tpu.memref_slice %arg5[%dma_wait3A_949, %dma_wait3A_950] : memref<819200x64xf32, #tpu.memory_space<hbm>> -> memref<128x64xf32, #tpu.memory_space<hbm>>
        %dma_wait3A_952 = arith.constant 0 : i32
        %dma_wait3A_953 = arith.constant 0 : i32
        %dma_wait3A_954 = tpu.memref_slice %arg7[%dma_wait3A_940, %dma_wait3A_941, %dma_wait3A_952, %dma_wait3A_953] : memref<2x5x128x64xf32, #tpu.memory_space<vmem>> -> memref<1x1x128x64xf32, #tpu.memory_space<vmem>>
        %dma_wait3A_955 = tpu.memref_squeeze %dma_wait3A_954 : memref<1x1x128x64xf32, #tpu.memory_space<vmem>> -> memref<128x64xf32, #tpu.memory_space<vmem>>
        tpu.wait_dma2 semaphore(%arg13 : memref<!tpu.dma_semaphore, #tpu.memory_space<semaphore_mem>>) src(%dma_wait3A_955 : memref<128x64xf32, #tpu.memory_space<vmem>>) dst(%dma_wait3A_951 : memref<128x64xf32, #tpu.memory_space<hbm>>)
        %dma_wait3A_956 = arith.constant 0 : i32
        %dma_wait3A_957 = arith.constant 4 : i32
        %dma_wait3A_958 = arith.constant 0 : i32
        %dma_wait3A_959 = arith.constant 0 : i32
        %dma_wait3A_960 = tpu.memref_slice %arg7[%dma_wait3A_956, %dma_wait3A_957, %dma_wait3A_958, %dma_wait3A_959] : memref<2x5x128x64xf32, #tpu.memory_space<vmem>> -> memref<1x1x128x64xf32, #tpu.memory_space<vmem>>
        %dma_wait3A_961 = tpu.memref_squeeze %dma_wait3A_960 : memref<1x1x128x64xf32, #tpu.memory_space<vmem>> -> memref<128x64xf32, #tpu.memory_space<vmem>>
        %dma_wait3A_962 = arith.constant 0 : i32
        %dma_wait3A_963 = arith.constant 0 : i32
        %dma_wait3A_964 = tpu.memref_slice %arg5[%dma_wait3A_962, %dma_wait3A_963] : memref<819200x64xf32, #tpu.memory_space<hbm>> -> memref<128x64xf32, #tpu.memory_space<hbm>>
        %dma_wait3A_965 = arith.constant 0 : i32
        %dma_wait3A_966 = arith.constant 0 : i32
        %dma_wait3A_967 = tpu.memref_slice %arg5[%dma_wait3A_965, %dma_wait3A_966] : memref<819200x64xf32, #tpu.memory_space<hbm>> -> memref<128x64xf32, #tpu.memory_space<hbm>>
        %dma_wait3A_968 = arith.constant 0 : i32
        %dma_wait3A_969 = arith.constant 0 : i32
        %dma_wait3A_970 = tpu.memref_slice %arg7[%dma_wait3A_956, %dma_wait3A_957, %dma_wait3A_968, %dma_wait3A_969] : memref<2x5x128x64xf32, #tpu.memory_space<vmem>> -> memref<1x1x128x64xf32, #tpu.memory_space<vmem>>
        %dma_wait3A_971 = tpu.memref_squeeze %dma_wait3A_970 : memref<1x1x128x64xf32, #tpu.memory_space<vmem>> -> memref<128x64xf32, #tpu.memory_space<vmem>>
        tpu.wait_dma2 semaphore(%arg13 : memref<!tpu.dma_semaphore, #tpu.memory_space<semaphore_mem>>) src(%dma_wait3A_971 : memref<128x64xf32, #tpu.memory_space<vmem>>) dst(%dma_wait3A_967 : memref<128x64xf32, #tpu.memory_space<hbm>>)
      } else {
      }
      %add3A_723 = arith.constant 1 : i32
      %add3A_724 = arith.addi %add3A_564, %add3A_723 : i32
      %lt3A_725 = arith.constant 40 : i32
      %lt3A_726 = arith.cmpi slt, %add3A_724, %lt3A_725 : i32
      %convert_element_type3A_727 = arith.extui %lt3A_726 : i1 to i32
      %cond3A_728 = arith.constant 0 : i32
      %cond3A_729 = arith.cmpi ne, %convert_element_type3A_727, %cond3A_728 : i32
      scf.if %cond3A_729 {
        %dma_wait3A_892 = arith.constant 0 : i32
        %dma_wait3A_893 = arith.constant 0 : i32
        %dma_wait3A_894 = arith.constant 0 : i32
        %dma_wait3A_895 = arith.constant 0 : i32
        %dma_wait3A_896 = tpu.memref_slice %arg6[%dma_wait3A_892, %dma_wait3A_893, %dma_wait3A_894, %dma_wait3A_895] : memref<2x5x2x128xi32, #tpu.memory_space<vmem>> -> memref<1x5x2x128xi32, #tpu.memory_space<vmem>>
        %dma_wait3A_897 = tpu.memref_squeeze %dma_wait3A_896 : memref<1x5x2x128xi32, #tpu.memory_space<vmem>> -> memref<5x2x128xi32, #tpu.memory_space<vmem>>
        %dma_wait3A_898 = arith.constant 0 : i32
        %dma_wait3A_899 = arith.constant 0 : i32
        %dma_wait3A_900 = arith.constant 0 : i32
        %dma_wait3A_901 = tpu.memref_slice %arg2[%dma_wait3A_898, %dma_wait3A_899, %dma_wait3A_900] : memref<6400x2x128xi32, #tpu.memory_space<hbm>> -> memref<5x2x128xi32, #tpu.memory_space<hbm>>
        %dma_wait3A_902 = arith.constant 0 : i32
        %dma_wait3A_903 = arith.constant 0 : i32
        %dma_wait3A_904 = arith.constant 0 : i32
        %dma_wait3A_905 = tpu.memref_slice %arg6[%dma_wait3A_892, %dma_wait3A_902, %dma_wait3A_903, %dma_wait3A_904] : memref<2x5x2x128xi32, #tpu.memory_space<vmem>> -> memref<1x5x2x128xi32, #tpu.memory_space<vmem>>
        %dma_wait3A_906 = tpu.memref_squeeze %dma_wait3A_905 : memref<1x5x2x128xi32, #tpu.memory_space<vmem>> -> memref<5x2x128xi32, #tpu.memory_space<vmem>>
        %dma_wait3A_907 = arith.constant 0 : i32
        %dma_wait3A_908 = arith.constant 0 : i32
        %dma_wait3A_909 = arith.constant 0 : i32
        %dma_wait3A_910 = tpu.memref_slice %arg2[%dma_wait3A_907, %dma_wait3A_908, %dma_wait3A_909] : memref<6400x2x128xi32, #tpu.memory_space<hbm>> -> memref<5x2x128xi32, #tpu.memory_space<hbm>>
        tpu.wait_dma2 semaphore(%arg9 : memref<!tpu.dma_semaphore, #tpu.memory_space<semaphore_mem>>) src(%dma_wait3A_910 : memref<5x2x128xi32, #tpu.memory_space<hbm>>) dst(%dma_wait3A_906 : memref<5x2x128xi32, #tpu.memory_space<vmem>>)
        %dma_start3A_911 = arith.constant 0 : i32
        %dma_start3A_912 = arith.constant 0 : i32
        %dma_start3A_913 = arith.constant 1 : i32
        %dma_start3A_914 = arith.constant 0 : i32
        %dma_start3A_915 = arith.constant 0 : i32
        %dma_start3A_916 = arith.constant 0 : i32
        %dma_start3A_917 = arith.constant 0 : i32
        %dma_start3A_918 = tpu.memref_slice %arg7[%dma_start3A_914, %dma_start3A_915, %dma_start3A_916, %dma_start3A_917] : memref<2x5x128x64xf32, #tpu.memory_space<vmem>> -> memref<1x1x128x64xf32, #tpu.memory_space<vmem>>
        %dma_start3A_919 = tpu.memref_squeeze %dma_start3A_918 : memref<1x1x128x64xf32, #tpu.memory_space<vmem>> -> memref<128x64xf32, #tpu.memory_space<vmem>>
        %dma_start3A_920 = arith.constant 0 : i32
        %dma_start3A_921 = tpu.memref_slice %arg6[%dma_start3A_911, %dma_start3A_912, %dma_start3A_913, %dma_start3A_920] : memref<2x5x2x128xi32, #tpu.memory_space<vmem>> -> memref<1x1x1x128xi32, #tpu.memory_space<vmem>>
        %dma_start3A_922 = tpu.memref_squeeze %dma_start3A_921 : memref<1x1x1x128xi32, #tpu.memory_space<vmem>> -> memref<128xi32, #tpu.memory_space<vmem>>
        %dma_start3A_923 = arith.constant 0 : i32
        %dma_start3A_924 = arith.constant 0 : i32
        %dma_start3A_925 = tpu.memref_slice %arg8[%dma_start3A_923, %dma_start3A_924] : memref<3x64xf32, #tpu.memory_space<vmem_shared>> -> memref<3x64xf32, #tpu.memory_space<vmem_shared>>
        tpu.enqueue_indirect_dma source(%dma_start3A_925 : memref<3x64xf32, #tpu.memory_space<vmem_shared>>) target(%dma_start3A_919 : memref<128x64xf32, #tpu.memory_space<vmem>>) offsets(%dma_start3A_922 : memref<128xi32, #tpu.memory_space<vmem>>) semaphore(%arg11 : memref<!tpu.dma_semaphore, #tpu.memory_space<semaphore_mem>>)
        %dma_start3A_926 = arith.constant 0 : i32
        %dma_start3A_927 = arith.constant 1 : i32
        %dma_start3A_928 = arith.constant 1 : i32
        %dma_start3A_929 = arith.constant 0 : i32
        %dma_start3A_930 = arith.constant 1 : i32
        %dma_start3A_931 = arith.constant 0 : i32
        %dma_start3A_932 = arith.constant 0 : i32
        %dma_start3A_933 = tpu.memref_slice %arg7[%dma_start3A_929, %dma_start3A_930, %dma_start3A_931, %dma_start3A_932] : memref<2x5x128x64xf32, #tpu.memory_space<vmem>> -> memref<1x1x128x64xf32, #tpu.memory_space<vmem>>
        %dma_start3A_934 = tpu.memref_squeeze %dma_start3A_933 : memref<1x1x128x64xf32, #tpu.memory_space<vmem>> -> memref<128x64xf32, #tpu.memory_space<vmem>>
        %dma_start3A_935 = arith.constant 0 : i32
        %dma_start3A_936 = tpu.memref_slice %arg6[%dma_start3A_926, %dma_start3A_927, %dma_start3A_928, %dma_start3A_935] : memref<2x5x2x128xi32, #tpu.memory_space<vmem>> -> memref<1x1x1x128xi32, #tpu.memory_space<vmem>>
        %dma_start3A_937 = tpu.memref_squeeze %dma_start3A_936 : memref<1x1x1x128xi32, #tpu.memory_space<vmem>> -> memref<128xi32, #tpu.memory_space<vmem>>
        %dma_start3A_938 = arith.constant 0 : i32
        %dma_start3A_939 = arith.constant 0 : i32
        %dma_start3A_940 = tpu.memref_slice %arg8[%dma_start3A_938, %dma_start3A_939] : memref<3x64xf32, #tpu.memory_space<vmem_shared>> -> memref<3x64xf32, #tpu.memory_space<vmem_shared>>
        tpu.enqueue_indirect_dma source(%dma_start3A_940 : memref<3x64xf32, #tpu.memory_space<vmem_shared>>) target(%dma_start3A_934 : memref<128x64xf32, #tpu.memory_space<vmem>>) offsets(%dma_start3A_937 : memref<128xi32, #tpu.memory_space<vmem>>) semaphore(%arg11 : memref<!tpu.dma_semaphore, #tpu.memory_space<semaphore_mem>>)
        %dma_start3A_941 = arith.constant 0 : i32
        %dma_start3A_942 = arith.constant 2 : i32
        %dma_start3A_943 = arith.constant 1 : i32
        %dma_start3A_944 = arith.constant 0 : i32
        %dma_start3A_945 = arith.constant 2 : i32
        %dma_start3A_946 = arith.constant 0 : i32
        %dma_start3A_947 = arith.constant 0 : i32
        %dma_start3A_948 = tpu.memref_slice %arg7[%dma_start3A_944, %dma_start3A_945, %dma_start3A_946, %dma_start3A_947] : memref<2x5x128x64xf32, #tpu.memory_space<vmem>> -> memref<1x1x128x64xf32, #tpu.memory_space<vmem>>
        %dma_start3A_949 = tpu.memref_squeeze %dma_start3A_948 : memref<1x1x128x64xf32, #tpu.memory_space<vmem>> -> memref<128x64xf32, #tpu.memory_space<vmem>>
        %dma_start3A_950 = arith.constant 0 : i32
        %dma_start3A_951 = tpu.memref_slice %arg6[%dma_start3A_941, %dma_start3A_942, %dma_start3A_943, %dma_start3A_950] : memref<2x5x2x128xi32, #tpu.memory_space<vmem>> -> memref<1x1x1x128xi32, #tpu.memory_space<vmem>>
        %dma_start3A_952 = tpu.memref_squeeze %dma_start3A_951 : memref<1x1x1x128xi32, #tpu.memory_space<vmem>> -> memref<128xi32, #tpu.memory_space<vmem>>
        %dma_start3A_953 = arith.constant 0 : i32
        %dma_start3A_954 = arith.constant 0 : i32
        %dma_start3A_955 = tpu.memref_slice %arg8[%dma_start3A_953, %dma_start3A_954] : memref<3x64xf32, #tpu.memory_space<vmem_shared>> -> memref<3x64xf32, #tpu.memory_space<vmem_shared>>
        tpu.enqueue_indirect_dma source(%dma_start3A_955 : memref<3x64xf32, #tpu.memory_space<vmem_shared>>) target(%dma_start3A_949 : memref<128x64xf32, #tpu.memory_space<vmem>>) offsets(%dma_start3A_952 : memref<128xi32, #tpu.memory_space<vmem>>) semaphore(%arg11 : memref<!tpu.dma_semaphore, #tpu.memory_space<semaphore_mem>>)
        %dma_start3A_956 = arith.constant 0 : i32
        %dma_start3A_957 = arith.constant 3 : i32
        %dma_start3A_958 = arith.constant 1 : i32
        %dma_start3A_959 = arith.constant 0 : i32
        %dma_start3A_960 = arith.constant 3 : i32
        %dma_start3A_961 = arith.constant 0 : i32
        %dma_start3A_962 = arith.constant 0 : i32
        %dma_start3A_963 = tpu.memref_slice %arg7[%dma_start3A_959, %dma_start3A_960, %dma_start3A_961, %dma_start3A_962] : memref<2x5x128x64xf32, #tpu.memory_space<vmem>> -> memref<1x1x128x64xf32, #tpu.memory_space<vmem>>
        %dma_start3A_964 = tpu.memref_squeeze %dma_start3A_963 : memref<1x1x128x64xf32, #tpu.memory_space<vmem>> -> memref<128x64xf32, #tpu.memory_space<vmem>>
        %dma_start3A_965 = arith.constant 0 : i32
        %dma_start3A_966 = tpu.memref_slice %arg6[%dma_start3A_956, %dma_start3A_957, %dma_start3A_958, %dma_start3A_965] : memref<2x5x2x128xi32, #tpu.memory_space<vmem>> -> memref<1x1x1x128xi32, #tpu.memory_space<vmem>>
        %dma_start3A_967 = tpu.memref_squeeze %dma_start3A_966 : memref<1x1x1x128xi32, #tpu.memory_space<vmem>> -> memref<128xi32, #tpu.memory_space<vmem>>
        %dma_start3A_968 = arith.constant 0 : i32
        %dma_start3A_969 = arith.constant 0 : i32
        %dma_start3A_970 = tpu.memref_slice %arg8[%dma_start3A_968, %dma_start3A_969] : memref<3x64xf32, #tpu.memory_space<vmem_shared>> -> memref<3x64xf32, #tpu.memory_space<vmem_shared>>
        tpu.enqueue_indirect_dma source(%dma_start3A_970 : memref<3x64xf32, #tpu.memory_space<vmem_shared>>) target(%dma_start3A_964 : memref<128x64xf32, #tpu.memory_space<vmem>>) offsets(%dma_start3A_967 : memref<128xi32, #tpu.memory_space<vmem>>) semaphore(%arg11 : memref<!tpu.dma_semaphore, #tpu.memory_space<semaphore_mem>>)
        %dma_start3A_971 = arith.constant 0 : i32
        %dma_start3A_972 = arith.constant 4 : i32
        %dma_start3A_973 = arith.constant 1 : i32
        %dma_start3A_974 = arith.constant 0 : i32
        %dma_start3A_975 = arith.constant 4 : i32
        %dma_start3A_976 = arith.constant 0 : i32
        %dma_start3A_977 = arith.constant 0 : i32
        %dma_start3A_978 = tpu.memref_slice %arg7[%dma_start3A_974, %dma_start3A_975, %dma_start3A_976, %dma_start3A_977] : memref<2x5x128x64xf32, #tpu.memory_space<vmem>> -> memref<1x1x128x64xf32, #tpu.memory_space<vmem>>
        %dma_start3A_979 = tpu.memref_squeeze %dma_start3A_978 : memref<1x1x128x64xf32, #tpu.memory_space<vmem>> -> memref<128x64xf32, #tpu.memory_space<vmem>>
        %dma_start3A_980 = arith.constant 0 : i32
        %dma_start3A_981 = tpu.memref_slice %arg6[%dma_start3A_971, %dma_start3A_972, %dma_start3A_973, %dma_start3A_980] : memref<2x5x2x128xi32, #tpu.memory_space<vmem>> -> memref<1x1x1x128xi32, #tpu.memory_space<vmem>>
        %dma_start3A_982 = tpu.memref_squeeze %dma_start3A_981 : memref<1x1x1x128xi32, #tpu.memory_space<vmem>> -> memref<128xi32, #tpu.memory_space<vmem>>
        %dma_start3A_983 = arith.constant 0 : i32
        %dma_start3A_984 = arith.constant 0 : i32
        %dma_start3A_985 = tpu.memref_slice %arg8[%dma_start3A_983, %dma_start3A_984] : memref<3x64xf32, #tpu.memory_space<vmem_shared>> -> memref<3x64xf32, #tpu.memory_space<vmem_shared>>
        tpu.enqueue_indirect_dma source(%dma_start3A_985 : memref<3x64xf32, #tpu.memory_space<vmem_shared>>) target(%dma_start3A_979 : memref<128x64xf32, #tpu.memory_space<vmem>>) offsets(%dma_start3A_982 : memref<128xi32, #tpu.memory_space<vmem>>) semaphore(%arg11 : memref<!tpu.dma_semaphore, #tpu.memory_space<semaphore_mem>>)
      } else {
      }
      %dma_wait3A_730 = arith.constant 1 : i32
      %dma_wait3A_731 = arith.constant 0 : i32
      %dma_wait3A_732 = arith.constant 0 : i32
      %dma_wait3A_733 = arith.constant 1 : i32
      %dma_wait3A_734 = arith.constant 0 : i32
      %dma_wait3A_735 = arith.constant 0 : i32
      %dma_wait3A_736 = arith.constant 0 : i32
      %dma_wait3A_737 = tpu.memref_slice %arg7[%dma_wait3A_733, %dma_wait3A_734, %dma_wait3A_735, %dma_wait3A_736] : memref<2x5x128x64xf32, #tpu.memory_space<vmem>> -> memref<1x1x128x64xf32, #tpu.memory_space<vmem>>
      %dma_wait3A_738 = tpu.memref_squeeze %dma_wait3A_737 : memref<1x1x128x64xf32, #tpu.memory_space<vmem>> -> memref<128x64xf32, #tpu.memory_space<vmem>>
      %dma_wait3A_739 = arith.constant 0 : i32
      %dma_wait3A_740 = tpu.memref_slice %arg6[%dma_wait3A_730, %dma_wait3A_731, %dma_wait3A_732, %dma_wait3A_739] : memref<2x5x2x128xi32, #tpu.memory_space<vmem>> -> memref<1x1x1x128xi32, #tpu.memory_space<vmem>>
      %dma_wait3A_741 = tpu.memref_squeeze %dma_wait3A_740 : memref<1x1x1x128xi32, #tpu.memory_space<vmem>> -> memref<128xi32, #tpu.memory_space<vmem>>
      %dma_wait3A_742 = arith.constant 0 : i32
      %dma_wait3A_743 = arith.constant 0 : i32
      %dma_wait3A_744 = tpu.memref_slice %arg3[%dma_wait3A_742, %dma_wait3A_743] : memref<1000000x64xf32, #tpu.memory_space<hbm>> -> memref<1000000x64xf32, #tpu.memory_space<hbm>>
      tpu.wait_indirect_dma semaphore(%arg12 : memref<!tpu.dma_semaphore, #tpu.memory_space<semaphore_mem>>) src(%dma_wait3A_744 : memref<1000000x64xf32, #tpu.memory_space<hbm>>) dst(%dma_wait3A_738 : memref<128x64xf32, #tpu.memory_space<vmem>>)
      %dma_wait3A_745 = arith.constant 1 : i32
      %dma_wait3A_746 = arith.constant 1 : i32
      %dma_wait3A_747 = arith.constant 0 : i32
      %dma_wait3A_748 = arith.constant 1 : i32
      %dma_wait3A_749 = arith.constant 1 : i32
      %dma_wait3A_750 = arith.constant 0 : i32
      %dma_wait3A_751 = arith.constant 0 : i32
      %dma_wait3A_752 = tpu.memref_slice %arg7[%dma_wait3A_748, %dma_wait3A_749, %dma_wait3A_750, %dma_wait3A_751] : memref<2x5x128x64xf32, #tpu.memory_space<vmem>> -> memref<1x1x128x64xf32, #tpu.memory_space<vmem>>
      %dma_wait3A_753 = tpu.memref_squeeze %dma_wait3A_752 : memref<1x1x128x64xf32, #tpu.memory_space<vmem>> -> memref<128x64xf32, #tpu.memory_space<vmem>>
      %dma_wait3A_754 = arith.constant 0 : i32
      %dma_wait3A_755 = tpu.memref_slice %arg6[%dma_wait3A_745, %dma_wait3A_746, %dma_wait3A_747, %dma_wait3A_754] : memref<2x5x2x128xi32, #tpu.memory_space<vmem>> -> memref<1x1x1x128xi32, #tpu.memory_space<vmem>>
      %dma_wait3A_756 = tpu.memref_squeeze %dma_wait3A_755 : memref<1x1x1x128xi32, #tpu.memory_space<vmem>> -> memref<128xi32, #tpu.memory_space<vmem>>
      %dma_wait3A_757 = arith.constant 0 : i32
      %dma_wait3A_758 = arith.constant 0 : i32
      %dma_wait3A_759 = tpu.memref_slice %arg3[%dma_wait3A_757, %dma_wait3A_758] : memref<1000000x64xf32, #tpu.memory_space<hbm>> -> memref<1000000x64xf32, #tpu.memory_space<hbm>>
      tpu.wait_indirect_dma semaphore(%arg12 : memref<!tpu.dma_semaphore, #tpu.memory_space<semaphore_mem>>) src(%dma_wait3A_759 : memref<1000000x64xf32, #tpu.memory_space<hbm>>) dst(%dma_wait3A_753 : memref<128x64xf32, #tpu.memory_space<vmem>>)
      %dma_wait3A_760 = arith.constant 1 : i32
      %dma_wait3A_761 = arith.constant 2 : i32
      %dma_wait3A_762 = arith.constant 0 : i32
      %dma_wait3A_763 = arith.constant 1 : i32
      %dma_wait3A_764 = arith.constant 2 : i32
      %dma_wait3A_765 = arith.constant 0 : i32
      %dma_wait3A_766 = arith.constant 0 : i32
      %dma_wait3A_767 = tpu.memref_slice %arg7[%dma_wait3A_763, %dma_wait3A_764, %dma_wait3A_765, %dma_wait3A_766] : memref<2x5x128x64xf32, #tpu.memory_space<vmem>> -> memref<1x1x128x64xf32, #tpu.memory_space<vmem>>
      %dma_wait3A_768 = tpu.memref_squeeze %dma_wait3A_767 : memref<1x1x128x64xf32, #tpu.memory_space<vmem>> -> memref<128x64xf32, #tpu.memory_space<vmem>>
      %dma_wait3A_769 = arith.constant 0 : i32
      %dma_wait3A_770 = tpu.memref_slice %arg6[%dma_wait3A_760, %dma_wait3A_761, %dma_wait3A_762, %dma_wait3A_769] : memref<2x5x2x128xi32, #tpu.memory_space<vmem>> -> memref<1x1x1x128xi32, #tpu.memory_space<vmem>>
      %dma_wait3A_771 = tpu.memref_squeeze %dma_wait3A_770 : memref<1x1x1x128xi32, #tpu.memory_space<vmem>> -> memref<128xi32, #tpu.memory_space<vmem>>
      %dma_wait3A_772 = arith.constant 0 : i32
      %dma_wait3A_773 = arith.constant 0 : i32
      %dma_wait3A_774 = tpu.memref_slice %arg3[%dma_wait3A_772, %dma_wait3A_773] : memref<1000000x64xf32, #tpu.memory_space<hbm>> -> memref<1000000x64xf32, #tpu.memory_space<hbm>>
      tpu.wait_indirect_dma semaphore(%arg12 : memref<!tpu.dma_semaphore, #tpu.memory_space<semaphore_mem>>) src(%dma_wait3A_774 : memref<1000000x64xf32, #tpu.memory_space<hbm>>) dst(%dma_wait3A_768 : memref<128x64xf32, #tpu.memory_space<vmem>>)
      %dma_wait3A_775 = arith.constant 1 : i32
      %dma_wait3A_776 = arith.constant 3 : i32
      %dma_wait3A_777 = arith.constant 0 : i32
      %dma_wait3A_778 = arith.constant 1 : i32
      %dma_wait3A_779 = arith.constant 3 : i32
      %dma_wait3A_780 = arith.constant 0 : i32
      %dma_wait3A_781 = arith.constant 0 : i32
      %dma_wait3A_782 = tpu.memref_slice %arg7[%dma_wait3A_778, %dma_wait3A_779, %dma_wait3A_780, %dma_wait3A_781] : memref<2x5x128x64xf32, #tpu.memory_space<vmem>> -> memref<1x1x128x64xf32, #tpu.memory_space<vmem>>
      %dma_wait3A_783 = tpu.memref_squeeze %dma_wait3A_782 : memref<1x1x128x64xf32, #tpu.memory_space<vmem>> -> memref<128x64xf32, #tpu.memory_space<vmem>>
      %dma_wait3A_784 = arith.constant 0 : i32
      %dma_wait3A_785 = tpu.memref_slice %arg6[%dma_wait3A_775, %dma_wait3A_776, %dma_wait3A_777, %dma_wait3A_784] : memref<2x5x2x128xi32, #tpu.memory_space<vmem>> -> memref<1x1x1x128xi32, #tpu.memory_space<vmem>>
      %dma_wait3A_786 = tpu.memref_squeeze %dma_wait3A_785 : memref<1x1x1x128xi32, #tpu.memory_space<vmem>> -> memref<128xi32, #tpu.memory_space<vmem>>
      %dma_wait3A_787 = arith.constant 0 : i32
      %dma_wait3A_788 = arith.constant 0 : i32
      %dma_wait3A_789 = tpu.memref_slice %arg3[%dma_wait3A_787, %dma_wait3A_788] : memref<1000000x64xf32, #tpu.memory_space<hbm>> -> memref<1000000x64xf32, #tpu.memory_space<hbm>>
      tpu.wait_indirect_dma semaphore(%arg12 : memref<!tpu.dma_semaphore, #tpu.memory_space<semaphore_mem>>) src(%dma_wait3A_789 : memref<1000000x64xf32, #tpu.memory_space<hbm>>) dst(%dma_wait3A_783 : memref<128x64xf32, #tpu.memory_space<vmem>>)
      %dma_wait3A_790 = arith.constant 1 : i32
      %dma_wait3A_791 = arith.constant 4 : i32
      %dma_wait3A_792 = arith.constant 0 : i32
      %dma_wait3A_793 = arith.constant 1 : i32
      %dma_wait3A_794 = arith.constant 4 : i32
      %dma_wait3A_795 = arith.constant 0 : i32
      %dma_wait3A_796 = arith.constant 0 : i32
      %dma_wait3A_797 = tpu.memref_slice %arg7[%dma_wait3A_793, %dma_wait3A_794, %dma_wait3A_795, %dma_wait3A_796] : memref<2x5x128x64xf32, #tpu.memory_space<vmem>> -> memref<1x1x128x64xf32, #tpu.memory_space<vmem>>
      %dma_wait3A_798 = tpu.memref_squeeze %dma_wait3A_797 : memref<1x1x128x64xf32, #tpu.memory_space<vmem>> -> memref<128x64xf32, #tpu.memory_space<vmem>>
      %dma_wait3A_799 = arith.constant 0 : i32
      %dma_wait3A_800 = tpu.memref_slice %arg6[%dma_wait3A_790, %dma_wait3A_791, %dma_wait3A_792, %dma_wait3A_799] : memref<2x5x2x128xi32, #tpu.memory_space<vmem>> -> memref<1x1x1x128xi32, #tpu.memory_space<vmem>>
      %dma_wait3A_801 = tpu.memref_squeeze %dma_wait3A_800 : memref<1x1x1x128xi32, #tpu.memory_space<vmem>> -> memref<128xi32, #tpu.memory_space<vmem>>
      %dma_wait3A_802 = arith.constant 0 : i32
      %dma_wait3A_803 = arith.constant 0 : i32
      %dma_wait3A_804 = tpu.memref_slice %arg3[%dma_wait3A_802, %dma_wait3A_803] : memref<1000000x64xf32, #tpu.memory_space<hbm>> -> memref<1000000x64xf32, #tpu.memory_space<hbm>>
      tpu.wait_indirect_dma semaphore(%arg12 : memref<!tpu.dma_semaphore, #tpu.memory_space<semaphore_mem>>) src(%dma_wait3A_804 : memref<1000000x64xf32, #tpu.memory_space<hbm>>) dst(%dma_wait3A_798 : memref<128x64xf32, #tpu.memory_space<vmem>>)
      %add3A_805 = arith.constant 2 : i32
      %add3A_806 = arith.addi %add3A_564, %add3A_805 : i32
      %lt3A_807 = arith.constant 40 : i32
      %lt3A_808 = arith.cmpi slt, %add3A_806, %lt3A_807 : i32
      %convert_element_type3A_809 = arith.extui %lt3A_808 : i1 to i32
      %cond3A_810 = arith.constant 0 : i32
      %cond3A_811 = arith.cmpi ne, %convert_element_type3A_809, %cond3A_810 : i32
      scf.if %cond3A_811 {
        %add3A_892 = arith.constant 2 : i32
        %add3A_893 = arith.addi %add3A_564, %add3A_892 : i32
        %mul3A_894 = arith.constant 5 : i32
        %mul3A_895 = arith.muli %add3A_893, %mul3A_894 : i32
        %add3A_896 = arith.addi %select_n3A, %mul3A_895 : i32
        %dma_start3A_897 = arith.constant 1 : i32
        %dma_start3A_898 = arith.constant 0 : i32
        %dma_start3A_899 = arith.constant 0 : i32
        %dma_start3A_900 = arith.constant 0 : i32
        %dma_start3A_901 = tpu.memref_slice %arg6[%dma_start3A_897, %dma_start3A_898, %dma_start3A_899, %dma_start3A_900] : memref<2x5x2x128xi32, #tpu.memory_space<vmem>> -> memref<1x5x2x128xi32, #tpu.memory_space<vmem>>
        %dma_start3A_902 = tpu.memref_squeeze %dma_start3A_901 : memref<1x5x2x128xi32, #tpu.memory_space<vmem>> -> memref<5x2x128xi32, #tpu.memory_space<vmem>>
        %dma_start3A_903 = arith.constant 0 : i32
        %dma_start3A_904 = arith.constant 0 : i32
        %dma_start3A_905 = tpu.memref_slice %arg2[%add3A_896, %dma_start3A_903, %dma_start3A_904] : memref<6400x2x128xi32, #tpu.memory_space<hbm>> -> memref<5x2x128xi32, #tpu.memory_space<hbm>>
        %dma_start3A_906 = arith.constant 0 : i32
        %dma_start3A_907 = arith.constant 0 : i32
        %dma_start3A_908 = arith.constant 0 : i32
        %dma_start3A_909 = tpu.memref_slice %arg6[%dma_start3A_897, %dma_start3A_906, %dma_start3A_907, %dma_start3A_908] : memref<2x5x2x128xi32, #tpu.memory_space<vmem>> -> memref<1x5x2x128xi32, #tpu.memory_space<vmem>>
        %dma_start3A_910 = tpu.memref_squeeze %dma_start3A_909 : memref<1x5x2x128xi32, #tpu.memory_space<vmem>> -> memref<5x2x128xi32, #tpu.memory_space<vmem>>
        %dma_start3A_911 = arith.constant 0 : i32
        %dma_start3A_912 = arith.constant 0 : i32
        %dma_start3A_913 = tpu.memref_slice %arg2[%add3A_896, %dma_start3A_911, %dma_start3A_912] : memref<6400x2x128xi32, #tpu.memory_space<hbm>> -> memref<5x2x128xi32, #tpu.memory_space<hbm>>
        tpu.enqueue_dma source(%dma_start3A_913 : memref<5x2x128xi32, #tpu.memory_space<hbm>>) target(%dma_start3A_910 : memref<5x2x128xi32, #tpu.memory_space<vmem>>) target_semaphore(%arg10 : memref<!tpu.dma_semaphore, #tpu.memory_space<semaphore_mem>>)
      } else {
      }
      %add3A_812 = arith.constant 0 : i32
      %add3A_813 = arith.addi %add3A_567, %add3A_812 : i32
      %dma_start3A_814 = arith.constant 1 : i32
      %dma_start3A_815 = arith.constant 0 : i32
      %dma_start3A_816 = arith.constant 0 : i32
      %dma_start3A_817 = arith.constant 0 : i32
      %dma_start3A_818 = tpu.memref_slice %arg7[%dma_start3A_814, %dma_start3A_815, %dma_start3A_816, %dma_start3A_817] : memref<2x5x128x64xf32, #tpu.memory_space<vmem>> -> memref<1x1x128x64xf32, #tpu.memory_space<vmem>>
      %dma_start3A_819 = tpu.memref_squeeze %dma_start3A_818 : memref<1x1x128x64xf32, #tpu.memory_space<vmem>> -> memref<128x64xf32, #tpu.memory_space<vmem>>
      %dma_start3A_820 = arith.constant 0 : i32
      %dma_start3A_821 = tpu.memref_slice %arg5[%add3A_813, %dma_start3A_820] : memref<819200x64xf32, #tpu.memory_space<hbm>> -> memref<128x64xf32, #tpu.memory_space<hbm>>
      %dma_start3A_822 = arith.constant 0 : i32
      %dma_start3A_823 = tpu.memref_slice %arg5[%add3A_813, %dma_start3A_822] : memref<819200x64xf32, #tpu.memory_space<hbm>> -> memref<128x64xf32, #tpu.memory_space<hbm>>
      %dma_start3A_824 = arith.constant 0 : i32
      %dma_start3A_825 = arith.constant 0 : i32
      %dma_start3A_826 = tpu.memref_slice %arg7[%dma_start3A_814, %dma_start3A_815, %dma_start3A_824, %dma_start3A_825] : memref<2x5x128x64xf32, #tpu.memory_space<vmem>> -> memref<1x1x128x64xf32, #tpu.memory_space<vmem>>
      %dma_start3A_827 = tpu.memref_squeeze %dma_start3A_826 : memref<1x1x128x64xf32, #tpu.memory_space<vmem>> -> memref<128x64xf32, #tpu.memory_space<vmem>>
      tpu.enqueue_dma source(%dma_start3A_827 : memref<128x64xf32, #tpu.memory_space<vmem>>) target(%dma_start3A_823 : memref<128x64xf32, #tpu.memory_space<hbm>>) target_semaphore(%arg14 : memref<!tpu.dma_semaphore, #tpu.memory_space<semaphore_mem>>)
      %add3A_828 = arith.constant 128 : i32
      %add3A_829 = arith.addi %add3A_567, %add3A_828 : i32
      %dma_start3A_830 = arith.constant 1 : i32
      %dma_start3A_831 = arith.constant 1 : i32
      %dma_start3A_832 = arith.constant 0 : i32
      %dma_start3A_833 = arith.constant 0 : i32
      %dma_start3A_834 = tpu.memref_slice %arg7[%dma_start3A_830, %dma_start3A_831, %dma_start3A_832, %dma_start3A_833] : memref<2x5x128x64xf32, #tpu.memory_space<vmem>> -> memref<1x1x128x64xf32, #tpu.memory_space<vmem>>
      %dma_start3A_835 = tpu.memref_squeeze %dma_start3A_834 : memref<1x1x128x64xf32, #tpu.memory_space<vmem>> -> memref<128x64xf32, #tpu.memory_space<vmem>>
      %dma_start3A_836 = arith.constant 0 : i32
      %dma_start3A_837 = tpu.memref_slice %arg5[%add3A_829, %dma_start3A_836] : memref<819200x64xf32, #tpu.memory_space<hbm>> -> memref<128x64xf32, #tpu.memory_space<hbm>>
      %dma_start3A_838 = arith.constant 0 : i32
      %dma_start3A_839 = tpu.memref_slice %arg5[%add3A_829, %dma_start3A_838] : memref<819200x64xf32, #tpu.memory_space<hbm>> -> memref<128x64xf32, #tpu.memory_space<hbm>>
      %dma_start3A_840 = arith.constant 0 : i32
      %dma_start3A_841 = arith.constant 0 : i32
      %dma_start3A_842 = tpu.memref_slice %arg7[%dma_start3A_830, %dma_start3A_831, %dma_start3A_840, %dma_start3A_841] : memref<2x5x128x64xf32, #tpu.memory_space<vmem>> -> memref<1x1x128x64xf32, #tpu.memory_space<vmem>>
      %dma_start3A_843 = tpu.memref_squeeze %dma_start3A_842 : memref<1x1x128x64xf32, #tpu.memory_space<vmem>> -> memref<128x64xf32, #tpu.memory_space<vmem>>
      tpu.enqueue_dma source(%dma_start3A_843 : memref<128x64xf32, #tpu.memory_space<vmem>>) target(%dma_start3A_839 : memref<128x64xf32, #tpu.memory_space<hbm>>) target_semaphore(%arg14 : memref<!tpu.dma_semaphore, #tpu.memory_space<semaphore_mem>>)
      %add3A_844 = arith.constant 256 : i32
      %add3A_845 = arith.addi %add3A_567, %add3A_844 : i32
      %dma_start3A_846 = arith.constant 1 : i32
      %dma_start3A_847 = arith.constant 2 : i32
      %dma_start3A_848 = arith.constant 0 : i32
      %dma_start3A_849 = arith.constant 0 : i32
      %dma_start3A_850 = tpu.memref_slice %arg7[%dma_start3A_846, %dma_start3A_847, %dma_start3A_848, %dma_start3A_849] : memref<2x5x128x64xf32, #tpu.memory_space<vmem>> -> memref<1x1x128x64xf32, #tpu.memory_space<vmem>>
      %dma_start3A_851 = tpu.memref_squeeze %dma_start3A_850 : memref<1x1x128x64xf32, #tpu.memory_space<vmem>> -> memref<128x64xf32, #tpu.memory_space<vmem>>
      %dma_start3A_852 = arith.constant 0 : i32
      %dma_start3A_853 = tpu.memref_slice %arg5[%add3A_845, %dma_start3A_852] : memref<819200x64xf32, #tpu.memory_space<hbm>> -> memref<128x64xf32, #tpu.memory_space<hbm>>
      %dma_start3A_854 = arith.constant 0 : i32
      %dma_start3A_855 = tpu.memref_slice %arg5[%add3A_845, %dma_start3A_854] : memref<819200x64xf32, #tpu.memory_space<hbm>> -> memref<128x64xf32, #tpu.memory_space<hbm>>
      %dma_start3A_856 = arith.constant 0 : i32
      %dma_start3A_857 = arith.constant 0 : i32
      %dma_start3A_858 = tpu.memref_slice %arg7[%dma_start3A_846, %dma_start3A_847, %dma_start3A_856, %dma_start3A_857] : memref<2x5x128x64xf32, #tpu.memory_space<vmem>> -> memref<1x1x128x64xf32, #tpu.memory_space<vmem>>
      %dma_start3A_859 = tpu.memref_squeeze %dma_start3A_858 : memref<1x1x128x64xf32, #tpu.memory_space<vmem>> -> memref<128x64xf32, #tpu.memory_space<vmem>>
      tpu.enqueue_dma source(%dma_start3A_859 : memref<128x64xf32, #tpu.memory_space<vmem>>) target(%dma_start3A_855 : memref<128x64xf32, #tpu.memory_space<hbm>>) target_semaphore(%arg14 : memref<!tpu.dma_semaphore, #tpu.memory_space<semaphore_mem>>)
      %add3A_860 = arith.constant 384 : i32
      %add3A_861 = arith.addi %add3A_567, %add3A_860 : i32
      %dma_start3A_862 = arith.constant 1 : i32
      %dma_start3A_863 = arith.constant 3 : i32
      %dma_start3A_864 = arith.constant 0 : i32
      %dma_start3A_865 = arith.constant 0 : i32
      %dma_start3A_866 = tpu.memref_slice %arg7[%dma_start3A_862, %dma_start3A_863, %dma_start3A_864, %dma_start3A_865] : memref<2x5x128x64xf32, #tpu.memory_space<vmem>> -> memref<1x1x128x64xf32, #tpu.memory_space<vmem>>
      %dma_start3A_867 = tpu.memref_squeeze %dma_start3A_866 : memref<1x1x128x64xf32, #tpu.memory_space<vmem>> -> memref<128x64xf32, #tpu.memory_space<vmem>>
      %dma_start3A_868 = arith.constant 0 : i32
      %dma_start3A_869 = tpu.memref_slice %arg5[%add3A_861, %dma_start3A_868] : memref<819200x64xf32, #tpu.memory_space<hbm>> -> memref<128x64xf32, #tpu.memory_space<hbm>>
      %dma_start3A_870 = arith.constant 0 : i32
      %dma_start3A_871 = tpu.memref_slice %arg5[%add3A_861, %dma_start3A_870] : memref<819200x64xf32, #tpu.memory_space<hbm>> -> memref<128x64xf32, #tpu.memory_space<hbm>>
      %dma_start3A_872 = arith.constant 0 : i32
      %dma_start3A_873 = arith.constant 0 : i32
      %dma_start3A_874 = tpu.memref_slice %arg7[%dma_start3A_862, %dma_start3A_863, %dma_start3A_872, %dma_start3A_873] : memref<2x5x128x64xf32, #tpu.memory_space<vmem>> -> memref<1x1x128x64xf32, #tpu.memory_space<vmem>>
      %dma_start3A_875 = tpu.memref_squeeze %dma_start3A_874 : memref<1x1x128x64xf32, #tpu.memory_space<vmem>> -> memref<128x64xf32, #tpu.memory_space<vmem>>
      tpu.enqueue_dma source(%dma_start3A_875 : memref<128x64xf32, #tpu.memory_space<vmem>>) target(%dma_start3A_871 : memref<128x64xf32, #tpu.memory_space<hbm>>) target_semaphore(%arg14 : memref<!tpu.dma_semaphore, #tpu.memory_space<semaphore_mem>>)
      %add3A_876 = arith.constant 512 : i32
      %add3A_877 = arith.addi %add3A_567, %add3A_876 : i32
      %dma_start3A_878 = arith.constant 1 : i32
      %dma_start3A_879 = arith.constant 4 : i32
      %dma_start3A_880 = arith.constant 0 : i32
      %dma_start3A_881 = arith.constant 0 : i32
      %dma_start3A_882 = tpu.memref_slice %arg7[%dma_start3A_878, %dma_start3A_879, %dma_start3A_880, %dma_start3A_881] : memref<2x5x128x64xf32, #tpu.memory_space<vmem>> -> memref<1x1x128x64xf32, #tpu.memory_space<vmem>>
      %dma_start3A_883 = tpu.memref_squeeze %dma_start3A_882 : memref<1x1x128x64xf32, #tpu.memory_space<vmem>> -> memref<128x64xf32, #tpu.memory_space<vmem>>
      %dma_start3A_884 = arith.constant 0 : i32
      %dma_start3A_885 = tpu.memref_slice %arg5[%add3A_877, %dma_start3A_884] : memref<819200x64xf32, #tpu.memory_space<hbm>> -> memref<128x64xf32, #tpu.memory_space<hbm>>
      %dma_start3A_886 = arith.constant 0 : i32
      %dma_start3A_887 = tpu.memref_slice %arg5[%add3A_877, %dma_start3A_886] : memref<819200x64xf32, #tpu.memory_space<hbm>> -> memref<128x64xf32, #tpu.memory_space<hbm>>
      %dma_start3A_888 = arith.constant 0 : i32
      %dma_start3A_889 = arith.constant 0 : i32
      %dma_start3A_890 = tpu.memref_slice %arg7[%dma_start3A_878, %dma_start3A_879, %dma_start3A_888, %dma_start3A_889] : memref<2x5x128x64xf32, #tpu.memory_space<vmem>> -> memref<1x1x128x64xf32, #tpu.memory_space<vmem>>
      %dma_start3A_891 = tpu.memref_squeeze %dma_start3A_890 : memref<1x1x128x64xf32, #tpu.memory_space<vmem>> -> memref<128x64xf32, #tpu.memory_space<vmem>>
      tpu.enqueue_dma source(%dma_start3A_891 : memref<128x64xf32, #tpu.memory_space<vmem>>) target(%dma_start3A_887 : memref<128x64xf32, #tpu.memory_space<hbm>>) target_semaphore(%arg14 : memref<!tpu.dma_semaphore, #tpu.memory_space<semaphore_mem>>)
    }
    %scan3A_152 = arith.constant 20 : i32
    %dma_wait3A_153 = arith.constant 1 : i32
    %dma_wait3A_154 = arith.constant 0 : i32
    %dma_wait3A_155 = arith.constant 0 : i32
    %dma_wait3A_156 = arith.constant 0 : i32
    %dma_wait3A_157 = tpu.memref_slice %arg7[%dma_wait3A_153, %dma_wait3A_154, %dma_wait3A_155, %dma_wait3A_156] : memref<2x5x128x64xf32, #tpu.memory_space<vmem>> -> memref<1x1x128x64xf32, #tpu.memory_space<vmem>>
    %dma_wait3A_158 = tpu.memref_squeeze %dma_wait3A_157 : memref<1x1x128x64xf32, #tpu.memory_space<vmem>> -> memref<128x64xf32, #tpu.memory_space<vmem>>
    %dma_wait3A_159 = arith.constant 0 : i32
    %dma_wait3A_160 = arith.constant 0 : i32
    %dma_wait3A_161 = tpu.memref_slice %arg5[%dma_wait3A_159, %dma_wait3A_160] : memref<819200x64xf32, #tpu.memory_space<hbm>> -> memref<128x64xf32, #tpu.memory_space<hbm>>
    %dma_wait3A_162 = arith.constant 0 : i32
    %dma_wait3A_163 = arith.constant 0 : i32
    %dma_wait3A_164 = tpu.memref_slice %arg5[%dma_wait3A_162, %dma_wait3A_163] : memref<819200x64xf32, #tpu.memory_space<hbm>> -> memref<128x64xf32, #tpu.memory_space<hbm>>
    %dma_wait3A_165 = arith.constant 0 : i32
    %dma_wait3A_166 = arith.constant 0 : i32
    %dma_wait3A_167 = tpu.memref_slice %arg7[%dma_wait3A_153, %dma_wait3A_154, %dma_wait3A_165, %dma_wait3A_166] : memref<2x5x128x64xf32, #tpu.memory_space<vmem>> -> memref<1x1x128x64xf32, #tpu.memory_space<vmem>>
    %dma_wait3A_168 = tpu.memref_squeeze %dma_wait3A_167 : memref<1x1x128x64xf32, #tpu.memory_space<vmem>> -> memref<128x64xf32, #tpu.memory_space<vmem>>
    tpu.wait_dma2 semaphore(%arg14 : memref<!tpu.dma_semaphore, #tpu.memory_space<semaphore_mem>>) src(%dma_wait3A_168 : memref<128x64xf32, #tpu.memory_space<vmem>>) dst(%dma_wait3A_164 : memref<128x64xf32, #tpu.memory_space<hbm>>)
    %dma_wait3A_169 = arith.constant 1 : i32
    %dma_wait3A_170 = arith.constant 1 : i32
    %dma_wait3A_171 = arith.constant 0 : i32
    %dma_wait3A_172 = arith.constant 0 : i32
    %dma_wait3A_173 = tpu.memref_slice %arg7[%dma_wait3A_169, %dma_wait3A_170, %dma_wait3A_171, %dma_wait3A_172] : memref<2x5x128x64xf32, #tpu.memory_space<vmem>> -> memref<1x1x128x64xf32, #tpu.memory_space<vmem>>
    %dma_wait3A_174 = tpu.memref_squeeze %dma_wait3A_173 : memref<1x1x128x64xf32, #tpu.memory_space<vmem>> -> memref<128x64xf32, #tpu.memory_space<vmem>>
    %dma_wait3A_175 = arith.constant 0 : i32
    %dma_wait3A_176 = arith.constant 0 : i32
    %dma_wait3A_177 = tpu.memref_slice %arg5[%dma_wait3A_175, %dma_wait3A_176] : memref<819200x64xf32, #tpu.memory_space<hbm>> -> memref<128x64xf32, #tpu.memory_space<hbm>>
    %dma_wait3A_178 = arith.constant 0 : i32
    %dma_wait3A_179 = arith.constant 0 : i32
    %dma_wait3A_180 = tpu.memref_slice %arg5[%dma_wait3A_178, %dma_wait3A_179] : memref<819200x64xf32, #tpu.memory_space<hbm>> -> memref<128x64xf32, #tpu.memory_space<hbm>>
    %dma_wait3A_181 = arith.constant 0 : i32
    %dma_wait3A_182 = arith.constant 0 : i32
    %dma_wait3A_183 = tpu.memref_slice %arg7[%dma_wait3A_169, %dma_wait3A_170, %dma_wait3A_181, %dma_wait3A_182] : memref<2x5x128x64xf32, #tpu.memory_space<vmem>> -> memref<1x1x128x64xf32, #tpu.memory_space<vmem>>
    %dma_wait3A_184 = tpu.memref_squeeze %dma_wait3A_183 : memref<1x1x128x64xf32, #tpu.memory_space<vmem>> -> memref<128x64xf32, #tpu.memory_space<vmem>>
    tpu.wait_dma2 semaphore(%arg14 : memref<!tpu.dma_semaphore, #tpu.memory_space<semaphore_mem>>) src(%dma_wait3A_184 : memref<128x64xf32, #tpu.memory_space<vmem>>) dst(%dma_wait3A_180 : memref<128x64xf32, #tpu.memory_space<hbm>>)
    %dma_wait3A_185 = arith.constant 1 : i32
    %dma_wait3A_186 = arith.constant 2 : i32
    %dma_wait3A_187 = arith.constant 0 : i32
    %dma_wait3A_188 = arith.constant 0 : i32
    %dma_wait3A_189 = tpu.memref_slice %arg7[%dma_wait3A_185, %dma_wait3A_186, %dma_wait3A_187, %dma_wait3A_188] : memref<2x5x128x64xf32, #tpu.memory_space<vmem>> -> memref<1x1x128x64xf32, #tpu.memory_space<vmem>>
    %dma_wait3A_190 = tpu.memref_squeeze %dma_wait3A_189 : memref<1x1x128x64xf32, #tpu.memory_space<vmem>> -> memref<128x64xf32, #tpu.memory_space<vmem>>
    %dma_wait3A_191 = arith.constant 0 : i32
    %dma_wait3A_192 = arith.constant 0 : i32
    %dma_wait3A_193 = tpu.memref_slice %arg5[%dma_wait3A_191, %dma_wait3A_192] : memref<819200x64xf32, #tpu.memory_space<hbm>> -> memref<128x64xf32, #tpu.memory_space<hbm>>
    %dma_wait3A_194 = arith.constant 0 : i32
    %dma_wait3A_195 = arith.constant 0 : i32
    %dma_wait3A_196 = tpu.memref_slice %arg5[%dma_wait3A_194, %dma_wait3A_195] : memref<819200x64xf32, #tpu.memory_space<hbm>> -> memref<128x64xf32, #tpu.memory_space<hbm>>
    %dma_wait3A_197 = arith.constant 0 : i32
    %dma_wait3A_198 = arith.constant 0 : i32
    %dma_wait3A_199 = tpu.memref_slice %arg7[%dma_wait3A_185, %dma_wait3A_186, %dma_wait3A_197, %dma_wait3A_198] : memref<2x5x128x64xf32, #tpu.memory_space<vmem>> -> memref<1x1x128x64xf32, #tpu.memory_space<vmem>>
    %dma_wait3A_200 = tpu.memref_squeeze %dma_wait3A_199 : memref<1x1x128x64xf32, #tpu.memory_space<vmem>> -> memref<128x64xf32, #tpu.memory_space<vmem>>
    tpu.wait_dma2 semaphore(%arg14 : memref<!tpu.dma_semaphore, #tpu.memory_space<semaphore_mem>>) src(%dma_wait3A_200 : memref<128x64xf32, #tpu.memory_space<vmem>>) dst(%dma_wait3A_196 : memref<128x64xf32, #tpu.memory_space<hbm>>)
    %dma_wait3A_201 = arith.constant 1 : i32
    %dma_wait3A_202 = arith.constant 3 : i32
    %dma_wait3A_203 = arith.constant 0 : i32
    %dma_wait3A_204 = arith.constant 0 : i32
    %dma_wait3A_205 = tpu.memref_slice %arg7[%dma_wait3A_201, %dma_wait3A_202, %dma_wait3A_203, %dma_wait3A_204] : memref<2x5x128x64xf32, #tpu.memory_space<vmem>> -> memref<1x1x128x64xf32, #tpu.memory_space<vmem>>
    %dma_wait3A_206 = tpu.memref_squeeze %dma_wait3A_205 : memref<1x1x128x64xf32, #tpu.memory_space<vmem>> -> memref<128x64xf32, #tpu.memory_space<vmem>>
    %dma_wait3A_207 = arith.constant 0 : i32
    %dma_wait3A_208 = arith.constant 0 : i32
    %dma_wait3A_209 = tpu.memref_slice %arg5[%dma_wait3A_207, %dma_wait3A_208] : memref<819200x64xf32, #tpu.memory_space<hbm>> -> memref<128x64xf32, #tpu.memory_space<hbm>>
    %dma_wait3A_210 = arith.constant 0 : i32
    %dma_wait3A_211 = arith.constant 0 : i32
    %dma_wait3A_212 = tpu.memref_slice %arg5[%dma_wait3A_210, %dma_wait3A_211] : memref<819200x64xf32, #tpu.memory_space<hbm>> -> memref<128x64xf32, #tpu.memory_space<hbm>>
    %dma_wait3A_213 = arith.constant 0 : i32
    %dma_wait3A_214 = arith.constant 0 : i32
    %dma_wait3A_215 = tpu.memref_slice %arg7[%dma_wait3A_201, %dma_wait3A_202, %dma_wait3A_213, %dma_wait3A_214] : memref<2x5x128x64xf32, #tpu.memory_space<vmem>> -> memref<1x1x128x64xf32, #tpu.memory_space<vmem>>
    %dma_wait3A_216 = tpu.memref_squeeze %dma_wait3A_215 : memref<1x1x128x64xf32, #tpu.memory_space<vmem>> -> memref<128x64xf32, #tpu.memory_space<vmem>>
    tpu.wait_dma2 semaphore(%arg14 : memref<!tpu.dma_semaphore, #tpu.memory_space<semaphore_mem>>) src(%dma_wait3A_216 : memref<128x64xf32, #tpu.memory_space<vmem>>) dst(%dma_wait3A_212 : memref<128x64xf32, #tpu.memory_space<hbm>>)
    %dma_wait3A_217 = arith.constant 1 : i32
    %dma_wait3A_218 = arith.constant 4 : i32
    %dma_wait3A_219 = arith.constant 0 : i32
    %dma_wait3A_220 = arith.constant 0 : i32
    %dma_wait3A_221 = tpu.memref_slice %arg7[%dma_wait3A_217, %dma_wait3A_218, %dma_wait3A_219, %dma_wait3A_220] : memref<2x5x128x64xf32, #tpu.memory_space<vmem>> -> memref<1x1x128x64xf32, #tpu.memory_space<vmem>>
    %dma_wait3A_222 = tpu.memref_squeeze %dma_wait3A_221 : memref<1x1x128x64xf32, #tpu.memory_space<vmem>> -> memref<128x64xf32, #tpu.memory_space<vmem>>
    %dma_wait3A_223 = arith.constant 0 : i32
    %dma_wait3A_224 = arith.constant 0 : i32
    %dma_wait3A_225 = tpu.memref_slice %arg5[%dma_wait3A_223, %dma_wait3A_224] : memref<819200x64xf32, #tpu.memory_space<hbm>> -> memref<128x64xf32, #tpu.memory_space<hbm>>
    %dma_wait3A_226 = arith.constant 0 : i32
    %dma_wait3A_227 = arith.constant 0 : i32
    %dma_wait3A_228 = tpu.memref_slice %arg5[%dma_wait3A_226, %dma_wait3A_227] : memref<819200x64xf32, #tpu.memory_space<hbm>> -> memref<128x64xf32, #tpu.memory_space<hbm>>
    %dma_wait3A_229 = arith.constant 0 : i32
    %dma_wait3A_230 = arith.constant 0 : i32
    %dma_wait3A_231 = tpu.memref_slice %arg7[%dma_wait3A_217, %dma_wait3A_218, %dma_wait3A_229, %dma_wait3A_230] : memref<2x5x128x64xf32, #tpu.memory_space<vmem>> -> memref<1x1x128x64xf32, #tpu.memory_space<vmem>>
    %dma_wait3A_232 = tpu.memref_squeeze %dma_wait3A_231 : memref<1x1x128x64xf32, #tpu.memory_space<vmem>> -> memref<128x64xf32, #tpu.memory_space<vmem>>
    tpu.wait_dma2 semaphore(%arg14 : memref<!tpu.dma_semaphore, #tpu.memory_space<semaphore_mem>>) src(%dma_wait3A_232 : memref<128x64xf32, #tpu.memory_space<vmem>>) dst(%dma_wait3A_228 : memref<128x64xf32, #tpu.memory_space<hbm>>)
    return
  }
}

</mosaic_0001>

<sc_bundles>
// kernel: kernel.3.cloned.1.call-start
scs
__scs_entry_jumppad:
0x0: {  	(pc) =	sbr.rel $0x88, $3  }
0x1: {  	(tag) =	ssettag $0x0;
	lr =	simm.s32 $0x1  }
0x2: {  	[smem:$0x3F9D] =	sst lr;
	_ =	strace $0xD0000000  }
0x3: {  	_ = 	snop  }
0x4: {  	_ = 	snop  }
0x5: {  	_ = 	snop  }
0x6: {  	_ = 	snop  }
0x7: {  	_ = 	snop  }
__scs_overlays_trampoline_lowered:
0x8: {  	[smem:$0x3FAC] =	sst s0  }
0x9: {  	[smem:$0x3FAD] =	sst s1  }
0xa: {  	[smem:$0x3FAE] =	sst s2  }
0xb: {  	[smem:$0x3FAF] =	sst s3  }
0xc: {  	[smem:$0x3FB0] =	sst s4  }
0xd: {  	[smem:$0x3FB1] =	sst s5  }
0xe: {  	[smem:$0x3FB2] =	sst s6  }
0xf: {  	[smem:$0x3FB3] =	sst s7  }
0x10: {  	[smem:$0x3FB4] =	sst s8  }
0x11: {  	[smem:$0x3FB5] =	sst s9;
	s0 =	simm.s32 @!p0 $0x0  }
0x12: {  	s1 =	sld [smem:$0x3F9B];
	s0 =	simm.s32 @p0 $0x1  }
0x13: {  	[smem:$0x3FB6] =	sst s0;
	s0 =	simm.s32 @!p1 $0x0  }
0x14: {  	s2 =	sld [smem:$0x3F9A];
	s0 =	simm.s32 @p1 $0x1  }
0x15: {  	[smem:$0x3FB7] =	sst s0;
	s0 =	simm.s32 @!p2 $0x0  }
0x16: {  	s3 =	sld [smem:$0x3FDB];
	s0 =	simm.s32 @p2 $0x1  }
0x17: {  	s4 =	simm.s32 $0x1BF5;
	[smem:$0x3FB9] =	sst s0  }
0x18: {  	s0 =	sld [smem:$0x3F9C];
	_ =	swait.ge [sflag:s4], $0x0  }
0x19: {  	s7 =	sld [smem:$0x3F9D]  }
0x1a: {  	s8 =	sadd.s32 $0xFFFFE003, lr  }
0x1b: {  	s9 =	sadd.s32 $0xFFFFFEF7, lr;
	s5 =	simm.s32 $0xFFFFFFFF;
	p2 =	slt.u32 s8, $0xFFFFF086  }
0x1c: {  	p1 =	slt.u32 s9, $0xF7A;
	s5 =	simm.s32 @!p2 $0x0  }
0x1d: {  	s5 =	simm.s32 @p1 $0x1;
	p0 =	seq.s32 s7, s2  }
0x1e: {  	s7 =	smul.u32 @!p0 $0xF7A, s2;
	p2 =	seq.s32 @!p0 s5, $0x0  }
0x1f: {  	s9 =	smul.u32 $0xF7A, s1;
	s8 =	simm.s32 @!p0 $0x1BF5;
	p2 =	por !p2, p0  }
0x20: {  	[sflag:s8] =	ssyncset.s32 @!p0 $0xFFFFF086;
	s6 =	sadd.s32 @!p0 s3, s7;
	s7 =	simm.s32 @!p0 $0x108  }
0x21: {  	s3 =	sadd.s32 s3, s9;
	s6 =	sadd.s32 @!p0 $0x88, s6;
	s7 =	simm.s32 @p2 $0x1082  }
0x22: {  	[simem:s7], [sflag:s8] =	dma.local @!p0 [hbm:s6], $0xF7A  }
0x23: {  	s9 =	sor.u32 $0xD0000000, s2;
	s6 =	simm.s32 $0x108;
	_ =	swait.ge @!p0 [sflag:s8], $0x0  }
0x24: {  	s3 =	sadd.s32 $0x88, s3;
	s6 =	simm.s32 @!p1 $0x1082;
	[sflag:s4] =	ssyncset.s32 $0xFFFFF086  }
0x25: {  	[simem:s6], [sflag:s4] =	dma.local [hbm:s3], $0xF7A  }
0x26: {  	[smem:$0x3F9D] =	sst s1;
	(tag) =	ssettag s2;
	_ =	strace s9  }
0x27: {  	s1 =	sld [smem:$0x3FAD]  }
0x28: {  	s2 =	sld [smem:$0x3FAE]  }
0x29: {  	s4 =	sld [smem:$0x3FB0]  }
0x2a: {  	p0 =	seq.s32 s5, $0x0;
	s5 =	sld [smem:$0x3FB1]  }
0x2b: {  	s6 =	sld [smem:$0x3FB2]  }
0x2c: {  	s7 =	sld [smem:$0x3FB3]  }
0x2d: {  	s3 =	simm.s32 $0x108;
	s8 =	sld [smem:$0x3FB4]  }
0x2e: {  	s3 =	simm.s32 @!p0 $0x1082;
	s9 =	sld [smem:$0x3FB5]  }
0x2f: {  	lr =	sadd.s32 s0, s3;
	s0 =	sld [smem:$0x3FAC]  }
0x30: {  	s3 =	sld [smem:$0x3FAF]  }
0x31: {  	[smem:$0x3FB8] =	sst s10  }
0x32: {  	s10 =	sld [smem:$0x3FB6];
	_ =	sdelay $0x3  }
0x33: {  	p0 =	seq.s32 s10, $0x1;
	s10 =	sld [smem:$0x3FB8];
	_ =	sdelay $0x3  }
0x34: {  	[smem:$0x3FB8] =	sst s10  }
0x35: {  	s10 =	sld [smem:$0x3FB7];
	_ =	sdelay $0x3  }
0x36: {  	p1 =	seq.s32 s10, $0x1;
	s10 =	sld [smem:$0x3FB8];
	_ =	sdelay $0x3  }
0x37: {  	[smem:$0x3FB8] =	sst s10  }
0x38: {  	s10 =	sld [smem:$0x3FB9]  }
0x39: {  	_ = 	snop;
	(pc) =	sbr.ind lr, $3  }
0x3a: {  	_ = 	snop  }
0x3b: {  	_ = 	snop  }
0x3c: {  	p2 =	seq.s32 s10, $0x1;
	s10 =	sld [smem:$0x3FB8]  }
0x3d: {  	_ =	shalt  }
0x3e: {  	_ =	shalt  }
0x3f: {  	_ =	shalt  }
0x40: {  	_ =	shalt  }
0x41: {  	_ =	shalt  }
0x42: {  	_ =	shalt  }
0x43: {  	_ =	shalt  }
0x44: {  	_ =	shalt  }
0x45: {  	_ =	shalt  }
0x46: {  	_ =	shalt  }
0x47: {  	_ =	shalt  }
0x48: {  	_ =	shalt  }
0x49: {  	_ =	shalt  }
0x4a: {  	_ =	shalt  }
0x4b: {  	_ =	shalt  }
0x4c: {  	_ =	shalt  }
0x4d: {  	_ =	shalt  }
0x4e: {  	_ =	shalt  }
0x4f: {  	_ =	shalt  }
0x50: {  	_ =	shalt  }
0x51: {  	_ =	shalt  }
0x52: {  	_ =	shalt  }
0x53: {  	_ =	shalt  }
0x54: {  	_ =	shalt  }
0x55: {  	_ =	shalt  }
0x56: {  	_ =	shalt  }
0x57: {  	_ =	shalt  }
0x58: {  	_ =	shalt  }
0x59: {  	_ =	shalt  }
0x5a: {  	_ =	shalt  }
0x5b: {  	_ =	shalt  }
0x5c: {  	_ =	shalt  }
0x5d: {  	_ =	shalt  }
0x5e: {  	_ =	shalt  }
0x5f: {  	_ =	shalt  }
0x60: {  	_ =	shalt  }
0x61: {  	_ =	shalt  }
0x62: {  	_ =	shalt  }
0x63: {  	_ =	shalt  }
0x64: {  	_ =	shalt  }
0x65: {  	_ =	shalt  }
0x66: {  	_ =	shalt  }
0x67: {  	_ =	shalt  }
0x68: {  	_ =	shalt  }
0x69: {  	_ =	shalt  }
0x6a: {  	_ =	shalt  }
0x6b: {  	_ =	shalt  }
0x6c: {  	_ =	shalt  }
0x6d: {  	_ =	shalt  }
0x6e: {  	_ =	shalt  }
0x6f: {  	_ =	shalt  }
0x70: {  	_ =	shalt  }
0x71: {  	_ =	shalt  }
0x72: {  	_ =	shalt  }
0x73: {  	_ =	shalt  }
0x74: {  	_ =	shalt  }
0x75: {  	_ =	shalt  }
0x76: {  	_ =	shalt  }
0x77: {  	_ =	shalt  }
0x78: {  	_ =	shalt  }
0x79: {  	_ =	shalt  }
0x7a: {  	_ =	shalt  }
0x7b: {  	_ =	shalt  }
0x7c: {  	_ =	shalt  }
0x7d: {  	_ =	shalt  }
0x7e: {  	_ =	shalt  }
0x7f: {  	_ =	shalt  }
0x80: {  	_ =	shalt  }
0x81: {  	_ =	shalt  }
0x82: {  	_ =	shalt  }
0x83: {  	_ =	shalt  }
0x84: {  	_ =	shalt  }
0x85: {  	_ =	shalt  }
0x86: {  	_ =	shalt  }
0x87: {  	_ =	shalt  }
.Lfunc_end0:
.L_simem_size_0:
called_computation.1_lowered:
.L_overlay_start_0:
0x88: {  	s2 =	sld [smem:$0x3FD9]  }
0x89: {  	s3 =	sld [smem:$0x3FFE];
	_ =	sdelay $0x1  }
0x8a: {  	s1 =	srdreg.scid  }
0x8b: {  	s0 =	sand.u32 $0x1, s1  }
0x8c: {  	s17 =	sshll.u32 s0, $0xA;
	s2 =	sadd.s32 s3, s2  }
0x8d: {  	s2 =	sadd.s32 s2, s17  }
0x8e: {  	[smem:$0x3FC4] =	sst s2  }
0x8f: {  	_ = 	snop  }
0x90: {  	s2 =	sld [smem:$0x3FD0];
	(tm) =	ssettm $0x1  }
0x91: {  	s18 =	sld [smem:$0x3FFB];
	_ =	sdelay $0x3  }
0x92: {  	_ =	strace s18  }
0x93: {  	s3 =	sld [smem:$0x3FFC];
	_ =	sdelay $0x3  }
0x94: {  	_ =	strace s3  }
0x95: {  	s3 =	sld [smem:$0x3FFD];
	_ =	sdelay $0x3  }
0x96: {  	_ =	strace s3  }
0x97: {  	_ =	strace $0x8FFFFFFF  }
0x98: {  	s19 =	sld [smem:$0x3FDB];
	_ =	sdelay $0x1  }
0x99: {  	s4 =	simm.s32 $_scs_section_size  }
0x9a: {  	s5 =	simm.s32 $_size__tile_overlayer_lowered;
	s6 =	simm.s32 $_tile_overlayer_lowered  }
0x9b: {  	s22 =	simm.s32 $0x1BFF;
	s21 =	sshll.u32 s6, $0x1;
	s3 =	sadd.s32 s4, s19  }
0x9c: {  	s7 =	simm.s32 $0x0;
	s20 =	sshll.u32 s5, $0x1;
	s5 =	sadd.s32 s21, s3  }
0x9d: {  	[timem:s7], [sflag:s22] =	dma.local [hbm:s5], s20  }
0x9e: {  	_ =	swait.ge [sflag:s22], s20  }
0x9f: {  	s4 =	ssub.s32 $0x0, s20;
	[sflag:s22] =	ssyncset.done $0x0  }
0xa0: {  	[sflag:s22] =	ssyncadd.s32 s4;
	_ =	sdelay $0x1  }
0xa1: {  	s23 =	simm.s32 $0x1B8B  }
0xa2: {  	_ =	swait.ge [sflag:s23], $0x1  }
0xa3: {  	[sflag:s23] =	ssyncset.done $0x0  }
0xa4: {  	s25 =	simm.s32 $0x1B8E;
	s24 =	sld [smem:$0x3FFE];
	[sflag:s23] =	ssyncadd.s32 $0xFFFFFFFF  }
0xa5: {  	s26 =	simm.s32 $execute0_lowered;
	[smem:$0x3FD2] =	sst s25  }
0xa6: {  	s5 =	sshll.u32 s26, $0x1;
	_ =	strace $0x80000046;
	[dreg:$0x1] =	wrdreg $0xFFFFFFFF  }
0xa7: {  	s28 =	simm.s32 $_size_execute0_lowered;
	s3 =	sadd.s32 s3, s5;
	[dreg:$0x0] =	wrdreg $0x0  }
0xa8: {  	s5 =	sshll.u32 s28, $0x1;
	[dreg:$0x2] =	wrdreg s3  }
0xa9: {  	[dreg:$0x3] =	wrdreg s5  }
0xaa: {  	[dreg:$0x4] =	wrdreg $0xC0  }
0xab: {  	_ =	task [dreg:s7], $0x5FFFF  }
0xac: {  	[dreg:$0x1] =	wrdreg $0xFFFFFFFF  }
0xad: {  	[dreg:$0x0] =	wrdreg $0x60  }
0xae: {  	[dreg:$0x2] =	wrdreg s24  }
0xaf: {  	[dreg:$0x3] =	wrdreg s2  }
0xb0: {  	[dreg:$0x4] =	wrdreg $0x14A000  }
0xb1: {  	[dreg:$0x5] =	wrdreg $0x9  }
0xb2: {  	_ =	task.clear_ibuf [dreg:s7], $0x6FFFF;
	_ =	strace $0x90000046  }
0xb3: {  	s29 =	simm.s32 $0x9;
	_ =	strace $0x80000048  }
0xb4: {  	_ =	swait.ge [sflag:s29], $0x1  }
0xb5: {  	[sflag:s29] =	ssyncadd.s32 $0xFFFFFFFF  }
0xb6: {  	_ =	strace $0x90000048  }
0xb7: {  	_ =	sfence  }
0xb8: {  	s30 =	sld [smem:$0x0];
	_ =	sdelay $0x2  }
0xb9: {  	s31 =	sshll.u32 s1, $0xD;
	s1 =	sshrl.u32 s1, $0x2  }
0xba: {  	s3 =	sand.u32 $0x4000, s31;
	s1 =	sadd.s32 s1, s30  }
0xbb: {  	s0 =	sor.u32 s3, s0;
	s1 =	sshll.u32 s1, $0x11  }
0xbc: {  	s0 =	sor.u32 s1, s0  }
0xbd: {  	s0 =	sadd.s32 $0x8F2B, s0  }
0xbe: {  	[sflag:s0] =	ssyncadd.remote.s32 $0x1  }
0xbf: {  	_ =	sfence.sel $0xFFFF  }
0xc0: {  	[dreg:$0x0] =	wrdreg $0xFFFFFFFF;
	(pc) =	sbr.abs _section_cstart, $3  }
0xc1: {  	[dreg:$0x1] =	wrdreg $0xFFFFFFFF  }
0xc2: {  	_ =	task.clear_ibuf [dreg:s7], $0x2FFFF;
	_ =	strace $0x9FFFFFFF  }
0xc3: {  	(tm) =	ssettm $0x7FFFFFFF  }
tec
execute0_lowered:
.L_overlay_start_1:
0x0: {  	(tag) =	ssettag $0x1  }
0x1: {  	s0 =	rddreg [dreg:$0x0]  }
0x2: {  	s1 =	rddreg [dreg:$0x1]  }
0x3: {  	s2 =	rddreg [dreg:$0x2];
	s3 =	simm.s32 $0x0;
	s4 =	srdreg.scid  }
0x4: {  	s11 =	stileid.u32;
	s12 =	simm.s32 $0x100;
	s14 =	simm.s32 $0x200  }
0x5: {  	s16 =	simm.s32 $0x300;
	s17 =	simm.s32 $0x400;
	s18 =	simm.s32 $0x580  }
0x6: {  	s28 =	simm.s32 $0x2;
	[smem:$0x7FF] =	sst s3;
	s5 =	sand.u32 $0x1, s4  }
0x7: {  	s6 =	sadd.s32 $0x1000, s0;
	s4 =	sadd.s32 $0xF43200, s0;
	s0 =	sadd.s32 $0xE00, s0  }
0x8: {  	s29 =	simm.s32 $0xAA00;
	_ =	strace $0x80000047;
	[dreg:$0x13] =	wrdreg s0  }
0x9: {  	s30 =	simm.s32 $0xCA00;
	s15 =	sshrl.u32 s2, $0x3;
	[dreg:$0x6] =	wrdreg s12  }
0xa: {  	s31 =	simm.s32 $0xEA00;
	s19 =	sshll.u32 s11, $0x1;
	[dreg:$0x1a] =	wrdreg s15  }
0xb: {  	s9 =	smul.u32 $0xC800, s11;
	s21 =	sshll.u32 s11, $0x6;
	[dreg:$0x7] =	wrdreg s14  }
0xc: {  	s23 =	smul.u32 $0x64000, s11;
	s7 =	sor.u32 s5, s19;
	[dreg:$0x8] =	wrdreg s16  }
0xd: {  	s8 =	ssub.s32 $0x2, s5;
	s10 =	smul.u32 $0x6400, s5;
	[dreg:$0x9] =	wrdreg s17  }
0xe: {  	s5 =	smul.u32 $0x32000, s5;
	s15 =	simm.s32 $0x80;
	[dreg:$0xa] =	wrdreg s18  }
0xf: {  	s19 =	simm.s32 $0x680;
	s16 =	simm.s32 $0xA00;
	s18 =	simm.s32 $0x2A00  }
0x10: {  	s17 =	simm.s32 $0x4;
	s7 =	smul.u32 $0x1900, s7;
	s20 =	sshrl.u32 s8, $0x1  }
0x11: {  	s25 =	sadd.s32 s23, s1;
	[dreg:$0xb] =	wrdreg s19;
	s23 =	simm.s32 $0x600  }
0x12: {  	s0 =	ssub.s32 s8, s20;
	s8 =	sor.u32 $0x1C07, s21;
	[dreg:$0xf] =	wrdreg s23  }
0x13: {  	s19 =	simm.s32 $0x5;
	s20 =	simm.s32 $0x780;
	[dreg:$0x14] =	wrdreg s8  }
0x14: {  	s24 =	sadd.s32 s10, s9;
	s21 =	simm.s32 $0x880;
	[dreg:$0xc] =	wrdreg s20  }
0x15: {  	s22 =	sadd.s32 s6, s7;
	s0 =	smax.u32 s0, $0x1;
	[dreg:$0xd] =	wrdreg s21  }
0x16: {  	s26 =	sshll.u32 s24, $0x3;
	s20 =	simm.s32 $0x4A00;
	[dreg:$0x15] =	wrdreg s22  }
0x17: {  	s21 =	simm.s32 $0x6;
	s8 =	sadd.s32 $0xA0, s22;
	[dreg:$0x17] =	wrdreg s0  }
0x18: {  	s0 =	sadd.s32 s5, s25;
	s1 =	sadd.s32 s26, s1;
	[dreg:$0x16] =	wrdreg s8  }
0x19: {  	s22 =	simm.s32 $0x980;
	s25 =	simm.s32 $0x800;
	[dreg:$0x4] =	wrdreg s0  }
0x1a: {  	s26 =	simm.s32 $0x900;
	s8 =	sshrl.u32 s24, $0x2;
	[dreg:$0xe] =	wrdreg s22  }
0x1b: {  	s10 =	sadd.s32 $0x1400, s1;
	s24 =	simm.s32 $0x700;
	[dreg:$0x11] =	wrdreg s25  }
0x1c: {  	s22 =	simm.s32 $0x6A00;
	[dreg:$0x12] =	wrdreg s26;
	s25 =	simm.s32 $0x500  }
0x1d: {  	s26 =	simm.s32 $0x3;
	s9 =	sadd.s32 s6, s8;
	[dreg:$0x5] =	wrdreg s10  }
0x1e: {  	s0 =	simm.s32 $0x10A00;
	[dreg:$0x10] =	wrdreg s24;
	s11 =	sadd.s32 $0x1E0, s9  }
0x1f: {  	s1 =	simm.s32 $0x12A00;
	s13 =	sadd.s32 $0x140, s9;
	[dreg:$0x18] =	wrdreg s11  }
0x20: {  	s24 =	simm.s32 $0x8A00;
	s6 =	simm.s32 $0x0;
	[dreg:$0x19] =	wrdreg s13  }
.LBB2_1:
0x21: {  	[dreg:$0x1b] =	wrdreg s6  }
0x22: {  	s5 =	rddreg [dreg:$0x13]  }
0x23: {  	s11 =	rddreg [dreg:$0x14]  }
0x24: {  	s7 =	rddreg [dreg:$0x1a];
	s12 =	simm.s32 $0x7  }
0x25: {  	[spmem:s7], [sflag:s11] =	dma.local [hbm:s5], $0x18  }
0x26: {  	_ =	swait.ge [sflag:s12], $0x18  }
0x27: {  	[sflag:s12] =	ssyncset.done $0x0  }
0x28: {  	s14 =	simm.s32 $0x1;
	s13 =	rddreg [dreg:$0x15];
	[sflag:s12] =	ssyncadd.s32 $0xFFFFFFE8  }
0x29: {  	[tilespmem:s3], [sflag:$0x1] =	stream.linear.gather [hbm4b:s13+s3], $0x500, $0x38;
	[tilespmem:$0x14A10] =	vst v63  }
0x2a: {  	_ =	swait.ge [sflag:s14], $0x500  }
0x2b: {  	[sflag:s14] =	ssyncset.done $0x0  }
0x2c: {  	[sflag:s14] =	ssyncadd.s32 $0xFFFFFB00  }
0x2d: {  	[tilespmem:s16], [sflag:$0x3] =	stream.indirect.gather [spmem:s2], $0x40, s15, s15, $0xb8;
	[tilespmem:$0x14A10] =	vst v63  }
0x2e: {  	s23 =	simm.s32 $0x180  }
0x2f: {  	[tilespmem:s18], [sflag:$0x3] =	stream.indirect.gather [spmem:s2], $0x40, s23, s15, $0xb8;
	[tilespmem:$0x14A10] =	vst v63  }
0x30: {  	s6 =	simm.s32 $0x280  }
0x31: {  	[tilespmem:s20], [sflag:$0x3] =	stream.indirect.gather [spmem:s2], $0x40, s6, s15, $0xb8;
	[tilespmem:$0x14A10] =	vst v63  }
0x32: {  	s7 =	simm.s32 $0x380  }
0x33: {  	[tilespmem:s22], [sflag:$0x3] =	stream.indirect.gather [spmem:s2], $0x40, s7, s15, $0xb8;
	[tilespmem:$0x14A10] =	vst v63  }
0x34: {  	s8 =	simm.s32 $0x480  }
0x35: {  	[tilespmem:s24], [sflag:$0x3] =	stream.indirect.gather [spmem:s2], $0x40, s8, s15, $0xb8;
	[tilespmem:$0x14A10] =	vst v63  }
0x36: {  	s9 =	rddreg [dreg:$0x16]  }
0x37: {  	[tilespmem:s25], [sflag:$0x2] =	stream.linear.gather [hbm4b:s9+s3], $0x500, $0x38;
	[tilespmem:$0x14A10] =	vst v63  }
0x38: {  	_ =	swait.ge [sflag:s26], $0x2000  }
0x39: {  	[sflag:s26] =	ssyncset.done $0x0  }
0x3a: {  	[sflag:s26] =	ssyncadd.s32 $0xFFFFE000  }
0x3b: {  	_ =	swait.ge [sflag:s26], $0x2000  }
0x3c: {  	[sflag:s26] =	ssyncset.done $0x0  }
0x3d: {  	[sflag:s26] =	ssyncadd.s32 $0xFFFFE000  }
0x3e: {  	_ =	swait.ge [sflag:s26], $0x2000  }
0x3f: {  	[sflag:s26] =	ssyncset.done $0x0  }
0x40: {  	[sflag:s26] =	ssyncadd.s32 $0xFFFFE000  }
0x41: {  	_ =	swait.ge [sflag:s26], $0x2000  }
0x42: {  	[sflag:s26] =	ssyncset.done $0x0  }
0x43: {  	[sflag:s26] =	ssyncadd.s32 $0xFFFFE000  }
0x44: {  	_ =	swait.ge [sflag:s26], $0x2000  }
0x45: {  	[sflag:s26] =	ssyncset.done $0x0  }
0x46: {  	[sflag:s26] =	ssyncadd.s32 $0xFFFFE000  }
0x47: {  	[tilespmem:s16], [sflag:$0x4] =	stream.indirect.gather.add.f32 [hbm:s4], $0x40, s3, s15, $0xb8;
	[tilespmem:$0x14A10] =	vst v63  }
0x48: {  	s10 =	rddreg [dreg:$0x6]  }
0x49: {  	[tilespmem:s18], [sflag:$0x4] =	stream.indirect.gather.add.f32 [hbm:s4], $0x40, s10, s15, $0xb8;
	[tilespmem:$0x14A10] =	vst v63  }
0x4a: {  	s11 =	rddreg [dreg:$0x7]  }
0x4b: {  	[tilespmem:s20], [sflag:$0x4] =	stream.indirect.gather.add.f32 [hbm:s4], $0x40, s11, s15, $0xb8;
	[tilespmem:$0x14A10] =	vst v63  }
0x4c: {  	p0 =	por $0x1, $0x1;
	s12 =	rddreg [dreg:$0x8]  }
0x4d: {  	[tilespmem:s22], [sflag:$0x4] =	stream.indirect.gather.add.f32 [hbm:s4], $0x40, s12, s15, $0xb8;
	[tilespmem:$0x14A10] =	vst v63  }
0x4e: {  	s5 =	simm.s32 @!p0 $0x6;
	s13 =	rddreg [dreg:$0x9]  }
0x4f: {  	[tilespmem:s24], [sflag:$0x4] =	stream.indirect.gather.add.f32 [hbm:s4], $0x40, s13, s15, $0xb8;
	[tilespmem:$0x14A10] =	vst v63  }
0x50: {  	_ =	swait.ge @!p0 [sflag:s5], $0x2000  }
0x51: {  	[sflag:s5] =	ssyncset.done @!p0 $0x0  }
0x52: {  	[sflag:s5] =	ssyncadd.s32 @!p0 $0xFFFFE000  }
0x53: {  	_ =	swait.ge @!p0 [sflag:s5], $0x2000  }
0x54: {  	[sflag:s5] =	ssyncset.done @!p0 $0x0  }
0x55: {  	[sflag:s5] =	ssyncadd.s32 @!p0 $0xFFFFE000  }
0x56: {  	_ =	swait.ge @!p0 [sflag:s5], $0x2000  }
0x57: {  	[sflag:s5] =	ssyncset.done @!p0 $0x0  }
0x58: {  	[sflag:s5] =	ssyncadd.s32 @!p0 $0xFFFFE000  }
0x59: {  	_ =	swait.ge @!p0 [sflag:s5], $0x2000  }
0x5a: {  	[sflag:s5] =	ssyncset.done @!p0 $0x0  }
0x5b: {  	[sflag:s5] =	ssyncadd.s32 @!p0 $0xFFFFE000  }
0x5c: {  	_ =	swait.ge @!p0 [sflag:s5], $0x2000  }
0x5d: {  	[sflag:s5] =	ssyncset.done @!p0 $0x0  }
0x5e: {  	[sflag:s5] =	ssyncadd.s32 @!p0 $0xFFFFE000  }
0x5f: {  	_ =	swait.ge [sflag:s28], $0x500  }
0x60: {  	[sflag:s28] =	ssyncset.done $0x0  }
0x61: {  	s14 =	rddreg [dreg:$0xa];
	[sflag:s28] =	ssyncadd.s32 $0xFFFFFB00  }
0x62: {  	[tilespmem:s29], [sflag:$0x3] =	stream.indirect.gather [spmem:s2], $0x40, s14, s15, $0xb8;
	[tilespmem:$0x14A10] =	vst v63  }
0x63: {  	s23 =	rddreg [dreg:$0xb]  }
0x64: {  	[tilespmem:s30], [sflag:$0x3] =	stream.indirect.gather [spmem:s2], $0x40, s23, s15, $0xb8;
	[tilespmem:$0x14A10] =	vst v63  }
0x65: {  	s6 =	rddreg [dreg:$0xc]  }
0x66: {  	[tilespmem:s31], [sflag:$0x3] =	stream.indirect.gather [spmem:s2], $0x40, s6, s15, $0xb8;
	[tilespmem:$0x14A10] =	vst v63  }
0x67: {  	s8 =	rddreg [dreg:$0xd]  }
0x68: {  	[tilespmem:s0], [sflag:$0x3] =	stream.indirect.gather [spmem:s2], $0x40, s8, s15, $0xb8;
	[tilespmem:$0x14A10] =	vst v63  }
0x69: {  	s9 =	rddreg [dreg:$0xe]  }
0x6a: {  	[tilespmem:s1], [sflag:$0x3] =	stream.indirect.gather [spmem:s2], $0x40, s9, s15, $0xb8;
	[tilespmem:$0x14A10] =	vst v63  }
0x6b: {  	_ =	swait.ge [sflag:s17], $0x2000  }
0x6c: {  	[sflag:s17] =	ssyncset.done $0x0  }
0x6d: {  	[sflag:s17] =	ssyncadd.s32 $0xFFFFE000  }
0x6e: {  	_ =	swait.ge [sflag:s17], $0x2000  }
0x6f: {  	[sflag:s17] =	ssyncset.done $0x0  }
0x70: {  	[sflag:s17] =	ssyncadd.s32 $0xFFFFE000  }
0x71: {  	_ =	swait.ge [sflag:s17], $0x2000  }
0x72: {  	[sflag:s17] =	ssyncset.done $0x0  }
0x73: {  	[sflag:s17] =	ssyncadd.s32 $0xFFFFE000  }
0x74: {  	_ =	swait.ge [sflag:s17], $0x2000  }
0x75: {  	[sflag:s17] =	ssyncset.done $0x0  }
0x76: {  	[sflag:s17] =	ssyncadd.s32 $0xFFFFE000  }
0x77: {  	_ =	swait.ge [sflag:s17], $0x2000  }
0x78: {  	p0 =	por $0x0, $0x0;
	[sflag:s17] =	ssyncset.done $0x0;
	s10 =	rddreg [dreg:$0x4]  }
0x79: {  	s5 =	simm.s32 @!p0 $0x0;
	s8 =	rddreg [dreg:$0x19];
	[sflag:s17] =	ssyncadd.s32 $0xFFFFE000  }
0x7a: {  	[tilespmem:s5], [sflag:$0x1] =	stream.linear.gather @!p0 [hbm4b:s8+s5], $0x500, $0x38;
	[tilespmem:$0x14A10] =	vst v63  }
0x7b: {  	s7 =	sadd.s32 $0x0, s10  }
0x7c: {  	[hbm4b:s7+s3] =	stream.linear.scatter [tilespmem:s16], [sflag:$0x5], $0x2000, $0x38;
	[tilespmem:$0x14A10] =	vst v63  }
0x7d: {  	s9 =	sadd.s32 $0x400, s7  }
0x7e: {  	[hbm4b:s9+s3] =	stream.linear.scatter [tilespmem:s18], [sflag:$0x5], $0x2000, $0x38;
	[tilespmem:$0x14A10] =	vst v63  }
0x7f: {  	s11 =	sadd.s32 $0x800, s7  }
0x80: {  	[hbm4b:s11+s3] =	stream.linear.scatter [tilespmem:s20], [sflag:$0x5], $0x2000, $0x38;
	[tilespmem:$0x14A10] =	vst v63  }
0x81: {  	s12 =	sadd.s32 $0xC00, s7  }
0x82: {  	[hbm4b:s12+s3] =	stream.linear.scatter [tilespmem:s22], [sflag:$0x5], $0x2000, $0x38;
	[tilespmem:$0x14A10] =	vst v63  }
0x83: {  	s13 =	sadd.s32 $0x1000, s7  }
0x84: {  	[hbm4b:s13+s3] =	stream.linear.scatter [tilespmem:s24], [sflag:$0x5], $0x2000, $0x38;
	[tilespmem:$0x14A10] =	vst v63  }
0x85: {  	_ =	swait.ge [sflag:s26], $0x2000  }
0x86: {  	[sflag:s26] =	ssyncset.done $0x0  }
0x87: {  	[sflag:s26] =	ssyncadd.s32 $0xFFFFE000  }
0x88: {  	_ =	swait.ge [sflag:s26], $0x2000  }
0x89: {  	[sflag:s26] =	ssyncset.done $0x0  }
0x8a: {  	[sflag:s26] =	ssyncadd.s32 $0xFFFFE000  }
0x8b: {  	_ =	swait.ge [sflag:s26], $0x2000  }
0x8c: {  	[sflag:s26] =	ssyncset.done $0x0  }
0x8d: {  	[sflag:s26] =	ssyncadd.s32 $0xFFFFE000  }
0x8e: {  	_ =	swait.ge [sflag:s26], $0x2000  }
0x8f: {  	[sflag:s26] =	ssyncset.done $0x0  }
0x90: {  	[sflag:s26] =	ssyncadd.s32 $0xFFFFE000  }
0x91: {  	_ =	swait.ge [sflag:s26], $0x2000  }
0x92: {  	[sflag:s26] =	ssyncset.done $0x0  }
0x93: {  	[sflag:s26] =	ssyncadd.s32 $0xFFFFE000  }
0x94: {  	[tilespmem:s29], [sflag:$0x4] =	stream.indirect.gather.add.f32 [hbm:s4], $0x40, s25, s15, $0xb8;
	[tilespmem:$0x14A10] =	vst v63  }
0x95: {  	s14 =	rddreg [dreg:$0xf]  }
0x96: {  	[tilespmem:s30], [sflag:$0x4] =	stream.indirect.gather.add.f32 [hbm:s4], $0x40, s14, s15, $0xb8;
	[tilespmem:$0x14A10] =	vst v63  }
0x97: {  	s10 =	rddreg [dreg:$0x10]  }
0x98: {  	[tilespmem:s31], [sflag:$0x4] =	stream.indirect.gather.add.f32 [hbm:s4], $0x40, s10, s15, $0xb8;
	[tilespmem:$0x14A10] =	vst v63  }
0x99: {  	s23 =	rddreg [dreg:$0x11]  }
0x9a: {  	[tilespmem:s0], [sflag:$0x4] =	stream.indirect.gather.add.f32 [hbm:s4], $0x40, s23, s15, $0xb8;
	[tilespmem:$0x14A10] =	vst v63  }
0x9b: {  	s6 =	rddreg [dreg:$0x12]  }
0x9c: {  	[tilespmem:s1], [sflag:$0x4] =	stream.indirect.gather.add.f32 [hbm:s4], $0x40, s6, s15, $0xb8;
	[tilespmem:$0x14A10] =	vst v63  }
0x9d: {  	_ =	swait.ge [sflag:s19], $0x2000  }
0x9e: {  	[sflag:s19] =	ssyncset.done $0x0  }
0x9f: {  	[sflag:s19] =	ssyncadd.s32 $0xFFFFE000  }
0xa0: {  	_ =	swait.ge [sflag:s19], $0x2000  }
0xa1: {  	[sflag:s19] =	ssyncset.done $0x0  }
0xa2: {  	[sflag:s19] =	ssyncadd.s32 $0xFFFFE000  }
0xa3: {  	_ =	swait.ge [sflag:s19], $0x2000  }
0xa4: {  	[sflag:s19] =	ssyncset.done $0x0  }
0xa5: {  	[sflag:s19] =	ssyncadd.s32 $0xFFFFE000  }
0xa6: {  	_ =	swait.ge [sflag:s19], $0x2000  }
0xa7: {  	[sflag:s19] =	ssyncset.done $0x0  }
0xa8: {  	[sflag:s19] =	ssyncadd.s32 $0xFFFFE000  }
0xa9: {  	_ =	swait.ge [sflag:s19], $0x2000  }
0xaa: {  	[sflag:s19] =	ssyncset.done $0x0  }
0xab: {  	s9 =	simm.s32 @!p0 $0x1;
	[sflag:s19] =	ssyncadd.s32 $0xFFFFE000  }
0xac: {  	_ =	swait.ge @!p0 [sflag:s9], $0x500  }
0xad: {  	[sflag:s9] =	ssyncset.done @!p0 $0x0  }
0xae: {  	s11 =	simm.s32 @!p0 $0xA00;
	s10 =	simm.s32 @!p0 $0x80;
	[sflag:s9] =	ssyncadd.s32 @!p0 $0xFFFFFB00  }
0xaf: {  	[tilespmem:s11], [sflag:$0x3] =	stream.indirect.gather @!p0 [spmem:s2], $0x40, s10, s10, $0xb8;
	[tilespmem:$0x14A10] =	vst v63  }
0xb0: {  	s9 =	simm.s32 @!p0 $0x180;
	s11 =	simm.s32 @!p0 $0x2A00  }
0xb1: {  	[tilespmem:s11], [sflag:$0x3] =	stream.indirect.gather @!p0 [spmem:s2], $0x40, s9, s10, $0xb8;
	[tilespmem:$0x14A10] =	vst v63  }
0xb2: {  	s9 =	simm.s32 @!p0 $0x280;
	s11 =	simm.s32 @!p0 $0x4A00  }
0xb3: {  	[tilespmem:s11], [sflag:$0x3] =	stream.indirect.gather @!p0 [spmem:s2], $0x40, s9, s10, $0xb8;
	[tilespmem:$0x14A10] =	vst v63  }
0xb4: {  	s9 =	simm.s32 @!p0 $0x380;
	s11 =	simm.s32 @!p0 $0x6A00  }
0xb5: {  	[tilespmem:s11], [sflag:$0x3] =	stream.indirect.gather @!p0 [spmem:s2], $0x40, s9, s10, $0xb8;
	[tilespmem:$0x14A10] =	vst v63  }
0xb6: {  	s9 =	simm.s32 @!p0 $0x480;
	s11 =	simm.s32 @!p0 $0x8A00  }
0xb7: {  	[tilespmem:s11], [sflag:$0x3] =	stream.indirect.gather @!p0 [spmem:s2], $0x40, s9, s10, $0xb8;
	[tilespmem:$0x14A10] =	vst v63  }
0xb8: {  	_ =	swait.ge [sflag:s17], $0x2000  }
0xb9: {  	[sflag:s17] =	ssyncset.done $0x0  }
0xba: {  	[sflag:s17] =	ssyncadd.s32 $0xFFFFE000  }
0xbb: {  	_ =	swait.ge [sflag:s17], $0x2000  }
0xbc: {  	[sflag:s17] =	ssyncset.done $0x0  }
0xbd: {  	[sflag:s17] =	ssyncadd.s32 $0xFFFFE000  }
0xbe: {  	_ =	swait.ge [sflag:s17], $0x2000  }
0xbf: {  	[sflag:s17] =	ssyncset.done $0x0  }
0xc0: {  	[sflag:s17] =	ssyncadd.s32 $0xFFFFE000  }
0xc1: {  	_ =	swait.ge [sflag:s17], $0x2000  }
0xc2: {  	[sflag:s17] =	ssyncset.done $0x0  }
0xc3: {  	[sflag:s17] =	ssyncadd.s32 $0xFFFFE000  }
0xc4: {  	_ =	swait.ge [sflag:s17], $0x2000  }
0xc5: {  	[sflag:s17] =	ssyncset.done $0x0;
	s11 =	rddreg [dreg:$0x5]  }
0xc6: {  	s10 =	simm.s32 @!p0 $0x500;
	s6 =	rddreg [dreg:$0x18];
	[sflag:s17] =	ssyncadd.s32 $0xFFFFE000  }
0xc7: {  	[tilespmem:s10], [sflag:$0x2] =	stream.linear.gather @!p0 [hbm4b:s6+s5], $0x500, $0x38;
	[tilespmem:$0x14A10] =	vst v63  }
0xc8: {  	s12 =	sadd.s32 $0x0, s11  }
0xc9: {  	[hbm4b:s12+s3] =	stream.linear.scatter [tilespmem:s29], [sflag:$0x6], $0x2000, $0x38;
	[tilespmem:$0x14A10] =	vst v63  }
0xca: {  	s13 =	sadd.s32 $0x1800, s7  }
0xcb: {  	[hbm4b:s13+s3] =	stream.linear.scatter [tilespmem:s30], [sflag:$0x6], $0x2000, $0x38;
	[tilespmem:$0x14A10] =	vst v63  }
0xcc: {  	s14 =	sadd.s32 $0x1C00, s7;
	s23 =	sadd.s32 $0x2000, s7;
	s7 =	sadd.s32 $0x2400, s7  }
0xcd: {  	[hbm4b:s14+s3] =	stream.linear.scatter [tilespmem:s31], [sflag:$0x6], $0x2000, $0x38;
	[tilespmem:$0x14A10] =	vst v63  }
0xce: {  	s11 =	smov.u32 s8;
	s5 =	simm.s32 $0x2800;
	s10 =	smov.u32 s6  }
0xcf: {  	[hbm4b:s23+s3] =	stream.linear.scatter [tilespmem:s0], [sflag:$0x6], $0x2000, $0x38;
	[tilespmem:$0x14A10] =	vst v63  }
.LBB2_2:
0xd0: {  	[hbm4b:s7+s3] =	stream.linear.scatter [tilespmem:s1], [sflag:$0x6], $0x2000, $0x38;
	[tilespmem:$0x14A10] =	vst v63  }
0xd1: {  	_ =	swait.ge [sflag:s26], $0x2000  }
0xd2: {  	[sflag:s26] =	ssyncset.done $0x0  }
0xd3: {  	[sflag:s26] =	ssyncadd.s32 $0xFFFFE000  }
0xd4: {  	_ =	swait.ge [sflag:s26], $0x2000  }
0xd5: {  	[sflag:s26] =	ssyncset.done $0x0  }
0xd6: {  	[sflag:s26] =	ssyncadd.s32 $0xFFFFE000  }
0xd7: {  	_ =	swait.ge [sflag:s26], $0x2000  }
0xd8: {  	[sflag:s26] =	ssyncset.done $0x0  }
0xd9: {  	[sflag:s26] =	ssyncadd.s32 $0xFFFFE000  }
0xda: {  	_ =	swait.ge [sflag:s26], $0x2000  }
0xdb: {  	[sflag:s26] =	ssyncset.done $0x0  }
0xdc: {  	[sflag:s26] =	ssyncadd.s32 $0xFFFFE000  }
0xdd: {  	_ =	swait.ge [sflag:s26], $0x2000  }
0xde: {  	[sflag:s26] =	ssyncset.done $0x0  }
0xdf: {  	[sflag:s26] =	ssyncadd.s32 $0xFFFFE000  }
0xe0: {  	[tilespmem:s16], [sflag:$0x4] =	stream.indirect.gather.add.f32 [hbm:s4], $0x40, s3, s15, $0xb8;
	[tilespmem:$0x14A10] =	vst v63  }
0xe1: {  	s6 =	rddreg [dreg:$0x6]  }
0xe2: {  	[tilespmem:s18], [sflag:$0x4] =	stream.indirect.gather.add.f32 [hbm:s4], $0x40, s6, s15, $0xb8;
	[tilespmem:$0x14A10] =	vst v63  }
0xe3: {  	s9 =	smov.u32 s5;
	s12 =	rddreg [dreg:$0x7]  }
0xe4: {  	[tilespmem:s20], [sflag:$0x4] =	stream.indirect.gather.add.f32 [hbm:s4], $0x40, s12, s15, $0xb8;
	[tilespmem:$0x14A10] =	vst v63  }
0xe5: {  	p1 =	seq.s32 s9, $0x0;
	s8 =	rddreg [dreg:$0x8]  }
0xe6: {  	[tilespmem:s22], [sflag:$0x4] =	stream.indirect.gather.add.f32 [hbm:s4], $0x40, s8, s15, $0xb8;
	[tilespmem:$0x14A10] =	vst v63  }
0xe7: {  	s7 =	simm.s32 @!p1 $0x6;
	s13 =	rddreg [dreg:$0x9]  }
0xe8: {  	[tilespmem:s24], [sflag:$0x4] =	stream.indirect.gather.add.f32 [hbm:s4], $0x40, s13, s15, $0xb8;
	[tilespmem:$0x14A10] =	vst v63  }
0xe9: {  	_ =	swait.ge @!p1 [sflag:s7], $0x2000  }
0xea: {  	[sflag:s7] =	ssyncset.done @!p1 $0x0  }
0xeb: {  	[sflag:s7] =	ssyncadd.s32 @!p1 $0xFFFFE000  }
0xec: {  	_ =	swait.ge @!p1 [sflag:s7], $0x2000  }
0xed: {  	[sflag:s7] =	ssyncset.done @!p1 $0x0  }
0xee: {  	[sflag:s7] =	ssyncadd.s32 @!p1 $0xFFFFE000  }
0xef: {  	_ =	swait.ge @!p1 [sflag:s7], $0x2000  }
0xf0: {  	[sflag:s7] =	ssyncset.done @!p1 $0x0  }
0xf1: {  	[sflag:s7] =	ssyncadd.s32 @!p1 $0xFFFFE000  }
0xf2: {  	_ =	swait.ge @!p1 [sflag:s7], $0x2000  }
0xf3: {  	[sflag:s7] =	ssyncset.done @!p1 $0x0  }
0xf4: {  	[sflag:s7] =	ssyncadd.s32 @!p1 $0xFFFFE000  }
0xf5: {  	_ =	swait.ge @!p1 [sflag:s7], $0x2000  }
0xf6: {  	[sflag:s7] =	ssyncset.done @!p1 $0x0  }
0xf7: {  	[sflag:s7] =	ssyncadd.s32 @!p1 $0xFFFFE000  }
0xf8: {  	_ =	swait.ge [sflag:s28], $0x500  }
0xf9: {  	[sflag:s28] =	ssyncset.done $0x0  }
0xfa: {  	s14 =	rddreg [dreg:$0xa];
	[sflag:s28] =	ssyncadd.s32 $0xFFFFFB00  }
0xfb: {  	[tilespmem:s29], [sflag:$0x3] =	stream.indirect.gather [spmem:s2], $0x40, s14, s15, $0xb8;
	[tilespmem:$0x14A10] =	vst v63  }
0xfc: {  	s23 =	rddreg [dreg:$0xb]  }
0xfd: {  	[tilespmem:s30], [sflag:$0x3] =	stream.indirect.gather [spmem:s2], $0x40, s23, s15, $0xb8;
	[tilespmem:$0x14A10] =	vst v63  }
0xfe: {  	s13 =	rddreg [dreg:$0xc]  }
0xff: {  	[tilespmem:s31], [sflag:$0x3] =	stream.indirect.gather [spmem:s2], $0x40, s13, s15, $0xb8;
	[tilespmem:$0x14A10] =	vst v63  }
0x100: {  	s6 =	rddreg [dreg:$0xd]  }
0x101: {  	[tilespmem:s0], [sflag:$0x3] =	stream.indirect.gather [spmem:s2], $0x40, s6, s15, $0xb8;
	[tilespmem:$0x14A10] =	vst v63  }
0x102: {  	s8 =	rddreg [dreg:$0xe]  }
0x103: {  	[tilespmem:s1], [sflag:$0x3] =	stream.indirect.gather [spmem:s2], $0x40, s8, s15, $0xb8;
	[tilespmem:$0x14A10] =	vst v63  }
0x104: {  	_ =	swait.ge [sflag:s17], $0x2000  }
0x105: {  	[sflag:s17] =	ssyncset.done $0x0  }
0x106: {  	[sflag:s17] =	ssyncadd.s32 $0xFFFFE000  }
0x107: {  	_ =	swait.ge [sflag:s17], $0x2000  }
0x108: {  	[sflag:s17] =	ssyncset.done $0x0  }
0x109: {  	[sflag:s17] =	ssyncadd.s32 $0xFFFFE000  }
0x10a: {  	_ =	swait.ge [sflag:s17], $0x2000  }
0x10b: {  	[sflag:s17] =	ssyncset.done $0x0  }
0x10c: {  	[sflag:s17] =	ssyncadd.s32 $0xFFFFE000  }
0x10d: {  	_ =	swait.ge [sflag:s17], $0x2000  }
0x10e: {  	[sflag:s17] =	ssyncset.done $0x0  }
0x10f: {  	[sflag:s17] =	ssyncadd.s32 $0xFFFFE000  }
0x110: {  	_ =	swait.ge [sflag:s17], $0x2000  }
0x111: {  	s11 =	sadd.s32 $0x140, s11;
	p1 =	seq.s32 s9, $0x2F800;
	[sflag:s17] =	ssyncset.done $0x0  }
0x112: {  	s12 =	simm.s32 @!p1 $0x0;
	s14 =	rddreg [dreg:$0x4];
	[sflag:s17] =	ssyncadd.s32 $0xFFFFE000  }
0x113: {  	[tilespmem:s12], [sflag:$0x1] =	stream.linear.gather @!p1 [hbm4b:s11+s12], $0x500, $0x38;
	[tilespmem:$0x14A10] =	vst v63  }
0x114: {  	s7 =	sadd.s32 s9, s14  }
0x115: {  	[hbm4b:s7+s3] =	stream.linear.scatter [tilespmem:s16], [sflag:$0x5], $0x2000, $0x38;
	[tilespmem:$0x14A10] =	vst v63  }
0x116: {  	s23 =	sadd.s32 $0x400, s7  }
0x117: {  	[hbm4b:s23+s3] =	stream.linear.scatter [tilespmem:s18], [sflag:$0x5], $0x2000, $0x38;
	[tilespmem:$0x14A10] =	vst v63  }
0x118: {  	s14 =	sadd.s32 $0x800, s7  }
0x119: {  	[hbm4b:s14+s3] =	stream.linear.scatter [tilespmem:s20], [sflag:$0x5], $0x2000, $0x38;
	[tilespmem:$0x14A10] =	vst v63  }
0x11a: {  	s6 =	sadd.s32 $0xC00, s7  }
0x11b: {  	[hbm4b:s6+s3] =	stream.linear.scatter [tilespmem:s22], [sflag:$0x5], $0x2000, $0x38;
	[tilespmem:$0x14A10] =	vst v63  }
0x11c: {  	s8 =	sadd.s32 $0x1000, s7  }
0x11d: {  	[hbm4b:s8+s3] =	stream.linear.scatter [tilespmem:s24], [sflag:$0x5], $0x2000, $0x38;
	[tilespmem:$0x14A10] =	vst v63  }
0x11e: {  	_ =	swait.ge [sflag:s26], $0x2000  }
0x11f: {  	[sflag:s26] =	ssyncset.done $0x0  }
0x120: {  	[sflag:s26] =	ssyncadd.s32 $0xFFFFE000  }
0x121: {  	_ =	swait.ge [sflag:s26], $0x2000  }
0x122: {  	[sflag:s26] =	ssyncset.done $0x0  }
0x123: {  	[sflag:s26] =	ssyncadd.s32 $0xFFFFE000  }
0x124: {  	_ =	swait.ge [sflag:s26], $0x2000  }
0x125: {  	[sflag:s26] =	ssyncset.done $0x0  }
0x126: {  	[sflag:s26] =	ssyncadd.s32 $0xFFFFE000  }
0x127: {  	_ =	swait.ge [sflag:s26], $0x2000  }
0x128: {  	[sflag:s26] =	ssyncset.done $0x0  }
0x129: {  	[sflag:s26] =	ssyncadd.s32 $0xFFFFE000  }
0x12a: {  	_ =	swait.ge [sflag:s26], $0x2000  }
0x12b: {  	[sflag:s26] =	ssyncset.done $0x0  }
0x12c: {  	[sflag:s26] =	ssyncadd.s32 $0xFFFFE000  }
0x12d: {  	[tilespmem:s29], [sflag:$0x4] =	stream.indirect.gather.add.f32 [hbm:s4], $0x40, s25, s15, $0xb8;
	[tilespmem:$0x14A10] =	vst v63  }
0x12e: {  	s14 =	rddreg [dreg:$0xf]  }
0x12f: {  	[tilespmem:s30], [sflag:$0x4] =	stream.indirect.gather.add.f32 [hbm:s4], $0x40, s14, s15, $0xb8;
	[tilespmem:$0x14A10] =	vst v63  }
0x130: {  	s23 =	rddreg [dreg:$0x10]  }
0x131: {  	[tilespmem:s31], [sflag:$0x4] =	stream.indirect.gather.add.f32 [hbm:s4], $0x40, s23, s15, $0xb8;
	[tilespmem:$0x14A10] =	vst v63  }
0x132: {  	s6 =	rddreg [dreg:$0x11]  }
0x133: {  	[tilespmem:s0], [sflag:$0x4] =	stream.indirect.gather.add.f32 [hbm:s4], $0x40, s6, s15, $0xb8;
	[tilespmem:$0x14A10] =	vst v63  }
0x134: {  	s8 =	rddreg [dreg:$0x12]  }
0x135: {  	[tilespmem:s1], [sflag:$0x4] =	stream.indirect.gather.add.f32 [hbm:s4], $0x40, s8, s15, $0xb8;
	[tilespmem:$0x14A10] =	vst v63  }
0x136: {  	_ =	swait.ge [sflag:s19], $0x2000  }
0x137: {  	[sflag:s19] =	ssyncset.done $0x0  }
0x138: {  	[sflag:s19] =	ssyncadd.s32 $0xFFFFE000  }
0x139: {  	_ =	swait.ge [sflag:s19], $0x2000  }
0x13a: {  	[sflag:s19] =	ssyncset.done $0x0  }
0x13b: {  	[sflag:s19] =	ssyncadd.s32 $0xFFFFE000  }
0x13c: {  	_ =	swait.ge [sflag:s19], $0x2000  }
0x13d: {  	[sflag:s19] =	ssyncset.done $0x0  }
0x13e: {  	[sflag:s19] =	ssyncadd.s32 $0xFFFFE000  }
0x13f: {  	_ =	swait.ge [sflag:s19], $0x2000  }
0x140: {  	[sflag:s19] =	ssyncset.done $0x0  }
0x141: {  	[sflag:s19] =	ssyncadd.s32 $0xFFFFE000  }
0x142: {  	_ =	swait.ge [sflag:s19], $0x2000  }
0x143: {  	[sflag:s19] =	ssyncset.done $0x0  }
0x144: {  	s6 =	simm.s32 @!p1 $0x1;
	[sflag:s19] =	ssyncadd.s32 $0xFFFFE000  }
0x145: {  	_ =	swait.ge @!p1 [sflag:s6], $0x500  }
0x146: {  	[sflag:s6] =	ssyncset.done @!p1 $0x0  }
0x147: {  	s13 =	simm.s32 @!p1 $0x80;
	s14 =	simm.s32 @!p1 $0xA00;
	[sflag:s6] =	ssyncadd.s32 @!p1 $0xFFFFFB00  }
0x148: {  	[tilespmem:s14], [sflag:$0x3] =	stream.indirect.gather @!p1 [spmem:s2], $0x40, s13, s13, $0xb8;
	[tilespmem:$0x14A10] =	vst v63  }
0x149: {  	s8 =	simm.s32 @!p1 $0x2A00;
	s6 =	simm.s32 @!p1 $0x180  }
0x14a: {  	[tilespmem:s8], [sflag:$0x3] =	stream.indirect.gather @!p1 [spmem:s2], $0x40, s6, s13, $0xb8;
	[tilespmem:$0x14A10] =	vst v63  }
0x14b: {  	s23 =	simm.s32 @!p1 $0x4A00;
	s14 =	simm.s32 @!p1 $0x280  }
0x14c: {  	[tilespmem:s23], [sflag:$0x3] =	stream.indirect.gather @!p1 [spmem:s2], $0x40, s14, s13, $0xb8;
	[tilespmem:$0x14A10] =	vst v63  }
0x14d: {  	s6 =	simm.s32 @!p1 $0x380;
	s8 =	simm.s32 @!p1 $0x6A00  }
0x14e: {  	[tilespmem:s8], [sflag:$0x3] =	stream.indirect.gather @!p1 [spmem:s2], $0x40, s6, s13, $0xb8;
	[tilespmem:$0x14A10] =	vst v63  }
0x14f: {  	s14 =	simm.s32 @!p1 $0x480;
	s23 =	simm.s32 @!p1 $0x8A00  }
0x150: {  	[tilespmem:s23], [sflag:$0x3] =	stream.indirect.gather @!p1 [spmem:s2], $0x40, s14, s13, $0xb8;
	[tilespmem:$0x14A10] =	vst v63  }
0x151: {  	_ =	swait.ge [sflag:s17], $0x2000  }
0x152: {  	[sflag:s17] =	ssyncset.done $0x0  }
0x153: {  	[sflag:s17] =	ssyncadd.s32 $0xFFFFE000  }
0x154: {  	_ =	swait.ge [sflag:s17], $0x2000  }
0x155: {  	[sflag:s17] =	ssyncset.done $0x0  }
0x156: {  	[sflag:s17] =	ssyncadd.s32 $0xFFFFE000  }
0x157: {  	_ =	swait.ge [sflag:s17], $0x2000  }
0x158: {  	[sflag:s17] =	ssyncset.done $0x0  }
0x159: {  	[sflag:s17] =	ssyncadd.s32 $0xFFFFE000  }
0x15a: {  	_ =	swait.ge [sflag:s17], $0x2000  }
0x15b: {  	[sflag:s17] =	ssyncset.done $0x0  }
0x15c: {  	[sflag:s17] =	ssyncadd.s32 $0xFFFFE000  }
0x15d: {  	_ =	swait.ge [sflag:s17], $0x2000  }
0x15e: {  	s10 =	sadd.s32 $0x140, s10;
	[sflag:s17] =	ssyncset.done $0x0  }
0x15f: {  	s6 =	simm.s32 @!p1 $0x500;
	s23 =	rddreg [dreg:$0x5];
	[sflag:s17] =	ssyncadd.s32 $0xFFFFE000  }
0x160: {  	[tilespmem:s6], [sflag:$0x2] =	stream.linear.gather @!p1 [hbm4b:s10+s12], $0x500, $0x38;
	[tilespmem:$0x14A10] =	vst v63  }
0x161: {  	s5 =	sadd.s32 $0x2800, s5;
	s12 =	sadd.s32 s9, s23  }
0x162: {  	[hbm4b:s12+s3] =	stream.linear.scatter [tilespmem:s29], [sflag:$0x6], $0x2000, $0x38;
	[tilespmem:$0x14A10] =	vst v63  }
0x163: {  	p0 =	sne.s32 s5, $0x32000;
	s13 =	sadd.s32 $0x1800, s7  }
0x164: {  	[hbm4b:s13+s3] =	stream.linear.scatter [tilespmem:s30], [sflag:$0x6], $0x2000, $0x38;
	[tilespmem:$0x14A10] =	vst v63  }
.Ltmp0:
0x165: {  	_ = 	snop;
	(pc) =	sbr.rel @p0 .LBB2_2-.Ltmp0, $4  }
0x166: {  	s14 =	sadd.s32 $0x1C00, s7  }
0x167: {  	[hbm4b:s14+s3] =	stream.linear.scatter [tilespmem:s31], [sflag:$0x6], $0x2000, $0x38;
	[tilespmem:$0x14A10] =	vst v63  }
0x168: {  	s23 =	sadd.s32 $0x2000, s7;
	s7 =	sadd.s32 $0x2400, s7  }
0x169: {  	[hbm4b:s23+s3] =	stream.linear.scatter [tilespmem:s0], [sflag:$0x6], $0x2000, $0x38;
	[tilespmem:$0x14A10] =	vst v63  }
0x16a: {  	[hbm4b:s7+s3] =	stream.linear.scatter [tilespmem:s1], [sflag:$0x6], $0x2000, $0x38;
	[tilespmem:$0x14A10] =	vst v63  }
0x16b: {  	_ =	swait.ge [sflag:s21], $0x2000  }
0x16c: {  	[sflag:s21] =	ssyncset.done $0x0  }
0x16d: {  	[sflag:s21] =	ssyncadd.s32 $0xFFFFE000  }
0x16e: {  	_ =	swait.ge [sflag:s21], $0x2000  }
0x16f: {  	[sflag:s21] =	ssyncset.done $0x0  }
0x170: {  	[sflag:s21] =	ssyncadd.s32 $0xFFFFE000  }
0x171: {  	_ =	swait.ge [sflag:s21], $0x2000  }
0x172: {  	[sflag:s21] =	ssyncset.done $0x0  }
0x173: {  	[sflag:s21] =	ssyncadd.s32 $0xFFFFE000  }
0x174: {  	_ =	swait.ge [sflag:s21], $0x2000  }
0x175: {  	[sflag:s21] =	ssyncset.done $0x0  }
0x176: {  	[sflag:s21] =	ssyncadd.s32 $0xFFFFE000  }
0x177: {  	_ =	swait.ge [sflag:s21], $0x2000  }
0x178: {  	s6 =	rddreg [dreg:$0x1b]  }
0x179: {  	s5 =	rddreg [dreg:$0x17];
	s6 =	sadd.s32 $0x1, s6  }
0x17a: {  	p0 =	sne.s32 s6, s5  }
.Ltmp1:
0x17b: {  	_ = 	snop;
	(pc) =	sbr.rel @p0 .LBB2_1-.Ltmp1, $3  }
0x17c: {  	_ =	sdelay $0x1  }
0x17d: {  	[sflag:s21] =	ssyncset.done $0x0  }
0x17e: {  	[sflag:s21] =	ssyncadd.s32 $0xFFFFE000  }
0x17f: {  	_ =	sfence.sel $0x180000  }
0x180: {  	[bflag:$0x0] =	sbarrier.arrive $0xFFFF  }
0x181: {  	_ =	strace $0x90000047  }
0x182: {  	s0 =	stileid.u32;
	[bflag:$0x2] =	sbarrier.arrive $0xFFFF  }
0x183: {  	p0 =	sne.s32 s0, $0x0;
	s0 =	rddreg [dreg:$0x3]  }
0x184: {  	s0 =	sadd.s32 @!p0 $0x100000, s0  }
0x185: {  	[sflag:s0] =	ssyncadd.tile.s32 @!p0 $0x1;
	_ =	shalt  }
.Lfunc_end2:
_tile_overlayer_lowered:
.L_overlay_start_2:
0x186: {  	(tag) =	ssettag $0x2  }
0x187: {  	s0 =	rddreg [dreg:$0x0];
	s2 =	stileid.u32  }
0x188: {  	s1 =	rddreg [dreg:$0x1];
	p0 =	sne.s32 s2, $0x0  }
0x189: {  	s3 =	rddreg [dreg:$0x2];
	[bflag:$0x3] =	sbarrier.arrive $0xFFFF;
	s2 =	simm.s32 @!p0 $0x1C07  }
0x18a: {  	[timem:s3], [sflag:s2] =	dma.local @!p0 [hbm:s0], s1  }
0x18b: {  	s0 =	simm.s32 @!p0 $0x7  }
0x18c: {  	_ =	swait.ge @!p0 [sflag:s0], s1  }
0x18d: {  	s1 =	ssub.s32 @!p0 $0x0, s1;
	[sflag:s0] =	ssyncset.done @!p0 $0x0  }
0x18e: {  	[sflag:s0] =	ssyncadd.s32 @!p0 s1  }
0x18f: {  	[bflag:$0x3] =	sbarrier.arrive $0xFFFF  }
0x190: {  	_ =	shalt  }

// kernel: sparse-core-data-format-call.cloned.1.call-start
scs
called_computation_lowered:
.L_overlay_start_0:
0x0: {  	s2 =	sld [smem:$0x3FD9]  }
0x1: {  	s3 =	sld [smem:$0x3FFE];
	_ =	sdelay $0x1  }
0x2: {  	s1 =	srdreg.scid  }
0x3: {  	s0 =	sand.u32 $0x1, s1  }
0x4: {  	s18 =	sshll.u32 s0, $0xA;
	s2 =	sadd.s32 s3, s2  }
0x5: {  	s2 =	sadd.s32 s2, s18  }
0x6: {  	[smem:$0x3FC4] =	sst s2  }
0x7: {  	_ = 	snop  }
0x8: {  	s2 =	sld [smem:$0x3FD0];
	(tm) =	ssettm $0x1  }
0x9: {  	s19 =	sld [smem:$0x3FFB];
	_ =	sdelay $0x3  }
0xa: {  	_ =	strace s19  }
0xb: {  	s3 =	sld [smem:$0x3FFC];
	_ =	sdelay $0x3  }
0xc: {  	_ =	strace s3  }
0xd: {  	s3 =	sld [smem:$0x3FFD];
	_ =	sdelay $0x3  }
0xe: {  	_ =	strace s3  }
0xf: {  	_ =	strace $0x8FFFFFFF  }
0x10: {  	s20 =	sld [smem:$0x3FDB];
	_ =	sdelay $0x1  }
0x11: {  	s4 =	simm.s32 $_scs_section_size  }
0x12: {  	s5 =	simm.s32 $_size__tile_overlayer_lowered;
	s6 =	simm.s32 $_tile_overlayer_lowered  }
0x13: {  	s23 =	simm.s32 $0x1BFF;
	s22 =	sshll.u32 s6, $0x1;
	s3 =	sadd.s32 s4, s20  }
0x14: {  	s7 =	simm.s32 $0x0;
	s21 =	sshll.u32 s5, $0x1;
	s5 =	sadd.s32 s22, s3  }
0x15: {  	[timem:s7], [sflag:s23] =	dma.local [hbm:s5], s21  }
0x16: {  	_ =	swait.ge [sflag:s23], s21  }
0x17: {  	s4 =	ssub.s32 $0x0, s21;
	[sflag:s23] =	ssyncset.done $0x0  }
0x18: {  	[sflag:s23] =	ssyncadd.s32 s4;
	_ =	sdelay $0x1  }
0x19: {  	s24 =	simm.s32 $0x1B8B  }
0x1a: {  	_ =	swait.ge [sflag:s24], $0x1  }
0x1b: {  	[sflag:s24] =	ssyncset.done $0x0  }
0x1c: {  	s26 =	simm.s32 $0x1B8E;
	s25 =	sld [smem:$0x3FFE];
	[sflag:s24] =	ssyncadd.s32 $0xFFFFFFFF  }
0x1d: {  	s27 =	simm.s32 $execute0_lowered;
	[smem:$0x3FD2] =	sst s26  }
0x1e: {  	s5 =	sshll.u32 s27, $0x1;
	_ =	strace $0x80000049;
	[dreg:$0x1] =	wrdreg $0xFFFFFFFF  }
0x1f: {  	s28 =	simm.s32 $_size_execute0_lowered;
	s3 =	sadd.s32 s3, s5;
	[dreg:$0x0] =	wrdreg $0x0  }
0x20: {  	s5 =	sshll.u32 s28, $0x1;
	[dreg:$0x2] =	wrdreg s3  }
0x21: {  	[dreg:$0x3] =	wrdreg s5  }
0x22: {  	[dreg:$0x4] =	wrdreg $0xC0  }
0x23: {  	_ =	task [dreg:s7], $0x5FFFF  }
0x24: {  	[dreg:$0x1] =	wrdreg $0xFFFFFFFF  }
0x25: {  	[dreg:$0x0] =	wrdreg $0x60  }
0x26: {  	[dreg:$0x2] =	wrdreg s25  }
0x27: {  	[dreg:$0x3] =	wrdreg s2  }
0x28: {  	[dreg:$0x4] =	wrdreg $0x9  }
0x29: {  	_ =	task.clear_ibuf [dreg:s7], $0x5FFFF;
	_ =	strace $0x90000049  }
0x2a: {  	s29 =	simm.s32 $0x9;
	_ =	strace $0x8000004B  }
0x2b: {  	_ =	swait.ge [sflag:s29], $0x1  }
0x2c: {  	[sflag:s29] =	ssyncadd.s32 $0xFFFFFFFF  }
0x2d: {  	_ =	strace $0x9000004B  }
0x2e: {  	_ =	sfence  }
0x2f: {  	s30 =	sld [smem:$0x0];
	_ =	sdelay $0x2  }
0x30: {  	s31 =	sshll.u32 s1, $0xD;
	s1 =	sshrl.u32 s1, $0x2  }
0x31: {  	s3 =	sand.u32 $0x4000, s31;
	s1 =	sadd.s32 s1, s30  }
0x32: {  	s0 =	sor.u32 s3, s0;
	s1 =	sshll.u32 s1, $0x11  }
0x33: {  	s0 =	sor.u32 s1, s0  }
0x34: {  	s0 =	sadd.s32 $0x8F2B, s0  }
0x35: {  	[sflag:s0] =	ssyncadd.remote.s32 $0x1  }
0x36: {  	_ =	sfence.sel $0xFFFF  }
0x37: {  	[dreg:$0x0] =	wrdreg $0xFFFFFFFF;
	(pc) =	sbr.abs _section_cstart, $3  }
0x38: {  	[dreg:$0x1] =	wrdreg $0xFFFFFFFF  }
0x39: {  	_ =	task.clear_ibuf [dreg:s7], $0x2FFFF;
	_ =	strace $0x9FFFFFFF  }
0x3a: {  	(tm) =	ssettm $0x7FFFFFFF  }
0x3b: {  	_ =	shalt  }
tec
execute0_lowered:
.L_overlay_start_1:
0x0: {  	(tag) =	ssettag $0x1  }
0x1: {  	s0 =	srdreg.scid  }
0x2: {  	s1 =	sshll.u32 s0, $0x4  }
0x3: {  	s0 =	stileid.u32;
	s1 =	sand.u32 $0x10, s1  }
0x4: {  	s1 =	sor.u32 s0, s1  }
0x5: {  	s6 =	rddreg [dreg:$0x0];
	s4 =	simm.s32 $0x1;
	s2 =	sshll.u32 s1, $0x7  }
0x6: {  	s7 =	simm.s32 $0x2;
	s12 =	simm.s32 $0x0;
	s1 =	ssub.s32 $0x1000, s2  }
0x7: {  	s8 =	simm.s32 $0x8000;
	s13 =	simm.s32 $0x0;
	s3 =	sand.u32 $0xF80, s1  }
0x8: {  	s9 =	simm.s32 $0x0;
	s5 =	sshrl.u32 s1, $0xC;
	p0 =	sne.s32 s3, $0x0  }
.Ltmp0:
0x9: {  	s1 =	rddreg [dreg:$0x2];
	s4 =	simm.s32 @!p0 $0x0;
	(pc) =	sbr.rel .LBB1_1-.Ltmp0, $4  }
0xa: {  	s11 =	simm.s32 $0x0;
	s3 =	rddreg [dreg:$0x1];
	s5 =	sadd.s32 s4, s5  }
0xb: {  	_ =	strace $0x8000004A;
	s4 =	simm.s32 $0x1;
	s5 =	smul.u32 $0xC8, s5  }
0xc: {  	s6 =	sadd.s32 $0xE00, s6;
	s10 =	smov.u32 s2;
	[sflag:s4] =	ssyncpa.u1 $0x0  }
0xd: {  	p0 =	por $0x0, $0x0;
	[sflag:s7] =	ssyncpa.u1 $0x0;
	s7 =	sor.u32 $0x1, s5  }
.LBB1_4:
0xe: {  	s16 =	sshll.u32 s13, $0x3;
	s17 =	sand.u32 $0x78, s13  }
0xf: {  	s30 =	sand.u32 $0x7E00, s13;
	s12 =	sshll.u32 s12, $0xF;
	s16 =	sand.u32 $0xC00, s16  }
0x10: {  	[tilespmem:s15+$0x810 ss:$0x81] =	vst.msk $0xffff, v2;
	s31 =	sand.u32 $0x7, s13;
	s16 =	sor.u32 s17, s16;
	s17 =	sadd.s32 s3, s30  }
0x11: {  	[tilespmem:s15+$0x1020 ss:$0x81] =	vst.msk $0xffff, v0;
	s13 =	sshll.u32 s31, $0x12;
	s12 =	sadd.s32 s12, s17;
	s16 =	sshrl.u32 s16, $0x3  }
0x12: {  	[tilespmem:s15+$0x0 ss:$0x81] =	vst.msk $0xffff, v1;
	s13 =	sor.u32 $0x400, s13;
	s12 =	sadd.s32 s16, s12  }
0x13: {  	[hbm4b:s12+s13] =	stream.strided.scatter [tilespmem:s14], [sflag:$0x2], $0x2000, s8, s13, $0x20;
	[tilespmem:$0x8080] =	vst v63  }
.LBB1_5:
0x14: {  	s14 =	sadd.s32 $0x1, s9  }
0x15: {  	s12 =	sadd.s32 $0x1000, s10;
	s16 =	smov.u32 s10;
	p2 =	sgt.s32 s14, $0xC7  }
0x16: {  	s16 =	smov.u32 @p2 s12  }
0x17: {  	s14 =	simm.s32 @p2 $0x0;
	p2 =	sgt.s32 s16, $0xFFF  }
0x18: {  	s16 =	smov.u32 @p2 s2;
	p2 =	sne.s32 s11, s7  }
.Ltmp1:
0x19: {  	p1 =	slt.u32 s11, $0x2;
	(pc) =	sbr.rel @!p2 .LBB1_6-.Ltmp1, $4  }
0x1a: {  	s15 =	simm.s32 @!p1 $0x2  }
0x1b: {  	s13 =	smov.u32 s10;
	p0 =	por !p0, !p0;
	_ =	swait.ge @!p1 [sflag:s15], $0x2000  }
0x1c: {  	s12 =	smov.u32 s9;
	[sflag:s15] =	ssyncset.done @!p1 $0x0;
	s9 =	smov.u32 s14  }
0x1d: {  	s11 =	sadd.s32 $0x1, s11;
	[sflag:s15] =	ssyncadd.s32 @!p1 $0xFFFFE000;
	s10 =	smov.u32 s16  }
.LBB1_1:
0x1e: {  	p1 =	sge.u32 s11, s5  }
0x1f: {  	s14 =	sand.u32 @!p1 $0x1FFFFFF, s9  }
0x20: {  	s15 =	smulhi.u32 @!p1 $0x147AE15, s14;
	_ =	sdelay $0x1  }
0x21: {  	s15 =	smul.u32 @!p1 $0xC8, s15  }
0x22: {  	s16 =	sxor.u32 @!p1 $0xFFFFFFFF, s11;
	s17 =	smul.u32 @!p1 $0xC80, s10  }
0x23: {  	s31 =	sadd.s32 $0xFFFFFFFF, s11;
	s16 =	sshll.u32 @!p1 s16, $0xD;
	s14 =	ssub.s32 @!p1 s14, s15  }
0x24: {  	s15 =	sand.u32 @!p1 $0x2000, s16;
	s16 =	sadd.s32 @!p1 s6, s17;
	s14 =	sshll.u32 @!p1 s14, $0x4  }
0x25: {  	s17 =	simm.s32 @!p1 $0x6400;
	s14 =	sadd.s32 @!p1 s14, s16;
	s16 =	simm.s32 @!p1 $0x40  }
0x26: {  	[tilespmem:s15], [sflag:$0x1] =	stream.strided.gather @!p1 [hbm4b:s14+s16], $0x2000, s17, s16, $0x38;
	[tilespmem:$0x8080] =	vst v63  }
0x27: {  	p1 =	sge.u32 s31, s5  }
.Ltmp2:
0x28: {  	_ = 	snop;
	(pc) =	sbr.rel @p1 .LBB1_5-.Ltmp2, $1  }
0x29: {  	_ =	sdelay $0x3  }
0x2a: {  	s14 =	simm.s32 $0x1  }
0x2b: {  	_ =	swait.ge [sflag:s4], $0x2000;
	s14 =	simm.s32 @!p0 $0x0  }
0x2c: {  	[sflag:s4] =	ssyncset.done $0x0;
	s15 =	sshll.u32 s14, $0xD  }
0x2d: {  	[sflag:s4] =	ssyncadd.s32 $0xFFFFE000;
	s18 =	sor.u32 $0x20, s15  }
0x2e: {  	s14 =	smul.u32 $0x8100, s14;
	v3 =	vld [tilespmem:s18+$0x10]  }
0x2f: {  	s30 =	sand.u32 $0x1, s11;
	v2 =	vld [tilespmem:s18+$0xFFFFFFF0]  }
0x30: {  	s15 =	smul.u32 $0x8100, s30;
	s14 =	sshrl.u32 s14, $0x2;
	v0 =	vld [tilespmem:s18+$0x0]  }
0x31: {  	v1 =	vld [tilespmem:s18+$0xFFFFFFE0];
	s16 =	sor.u32 $0x4000, s14  }
0x32: {  	s31 =	sshrl.u32 s15, $0x2;
	s15 =	sadd.s32 $0x0, s16  }
0x33: {  	s17 =	simm.s32 $0x4;
	s18 =	sadd.s32 $0x40, s18;
	s14 =	sor.u32 $0x4000, s31;
	[tilespmem:s15+$0x1830 ss:$0x81] =	vst.msk $0xffff, v3  }
.LBB1_3:
0x34: {  	v3 =	vld [tilespmem:s18+$0x10];
	p1 =	sne.s32 s17, $0x1FC;
	[tilespmem:s15+$0x810 ss:$0x81] =	vst.msk $0xffff, v2;
	s19 =	smov.u32 s17;
	s17 =	sadd.s32 $0x4, s17  }
.Ltmp3:
0x35: {  	v2 =	vld [tilespmem:s18+$0xFFFFFFF0];
	[tilespmem:s15+$0x1020 ss:$0x81] =	vst.msk $0xffff, v0;
	(pc) =	sbr.rel @p1 .LBB1_3-.Ltmp3, $4  }
0x36: {  	v0 =	vld [tilespmem:s18+$0x0];
	[tilespmem:s15+$0x0 ss:$0x81] =	vst.msk $0xffff, v1  }
0x37: {  	s15 =	sshra.s32 s19, $0x2;
	v1 =	vld [tilespmem:s18+$0xFFFFFFE0]  }
0x38: {  	s15 =	sadd.s32 s15, s16  }
0x39: {  	s18 =	sadd.s32 $0x40, s18;
	[tilespmem:s15+$0x1830 ss:$0x81] =	vst.msk $0xffff, v3  }
.Ltmp4:
0x3a: {  	_ = 	snop;
	(pc) =	sbr.rel .LBB1_4-.Ltmp4, $1  }
0x3b: {  	_ =	sdelay $0x3  }
.LBB1_6:
0x3c: {  	_ =	sfence.sel $0x180000  }
0x3d: {  	s2 =	simm.s32 $0x1;
	[bflag:$0x0] =	sbarrier.arrive $0xFFFF  }
0x3e: {  	s31 =	simm.s32 $0x2;
	[sflag:s2] =	ssyncpa.u1 $0x1  }
0x3f: {  	[sflag:s31] =	ssyncpa.u1 $0x1  }
0x40: {  	p0 =	sne.s32 s0, $0x0;
	_ =	strace $0x9000004A  }
0x41: {  	s0 =	sadd.s32 @!p0 $0x100000, s1;
	[bflag:$0x2] =	sbarrier.arrive $0xFFFF  }
0x42: {  	[sflag:s0] =	ssyncadd.tile.s32 @!p0 $0x1;
	_ =	shalt  }
.Lfunc_end1:
_tile_overlayer_lowered:
.L_overlay_start_2:
0x43: {  	(tag) =	ssettag $0x2  }
0x44: {  	s0 =	rddreg [dreg:$0x0];
	s2 =	stileid.u32  }
0x45: {  	s1 =	rddreg [dreg:$0x1];
	p0 =	sne.s32 s2, $0x0  }
0x46: {  	s3 =	rddreg [dreg:$0x2];
	[bflag:$0x3] =	sbarrier.arrive $0xFFFF;
	s2 =	simm.s32 @!p0 $0x1C01  }
0x47: {  	[timem:s3], [sflag:s2] =	dma.local @!p0 [hbm:s0], s1  }
0x48: {  	s0 =	simm.s32 @!p0 $0x1  }
0x49: {  	_ =	swait.ge @!p0 [sflag:s0], s1  }
0x4a: {  	s1 =	ssub.s32 @!p0 $0x0, s1;
	[sflag:s0] =	ssyncset.done @!p0 $0x0  }
0x4b: {  	[sflag:s0] =	ssyncadd.s32 @!p0 s1  }
0x4c: {  	[bflag:$0x3] =	sbarrier.arrive $0xFFFF  }
0x4d: {  	_ =	shalt  }

</sc_bundles>
